<compile_context>
chip_gen: v7x
topology: tpu7x:2x2x1
jax: 0.10.2.dev20260603
libtpu: 0.0.44.dev20260713+nightly
codegen_flags: <defaults>
</compile_context>

<pallas_src>
import functools

import jax
import jax.numpy as jnp
from jax import lax
from jax.experimental import pallas as pl
from jax.experimental.pallas import tpu as pltpu
from jax.experimental.pallas import tpu_sc as plsc

T = 2048
M = 256
N = 256
C = 64
TILE = 128
NT = T // TILE
NCAND = 128
NITEMS = 80

_F = jnp.float32



def _fiota(shape, dim):
    return lax.broadcasted_iota(jnp.int32, shape, dim).astype(_F)

def _route_body(inds_ref, pos_ref, tile_ref, cls_ref, lo_ref, hi_ref, first_ref):
    ids = inds_ref[:].astype(_F)
    O = jnp.where(ids == _fiota((T, C), 1), 1.0, 0.0)

    counts = jnp.sum(O, axis=0, keepdims=True)
    countsb = jnp.broadcast_to(counts, (C, C))
    LE = jnp.where(_fiota((C, C), 1) <= _fiota((C, C), 0), 1.0, 0.0)
    offs_incl_col = jnp.sum(LE * countsb, axis=1, keepdims=True)
    E64 = jnp.where(_fiota((C, C), 0) == _fiota((C, C), 1), 1.0, 0.0)
    counts_col = jnp.sum(E64 * countsb, axis=1, keepdims=True)
    offs_excl_col = offs_incl_col - counts_col

    def row64(xcol):
        return jnp.sum(E64 * jnp.broadcast_to(xcol, (C, C)), axis=0, keepdims=True)

    offs_excl = row64(offs_excl_col)
    offs_incl = row64(offs_incl_col)

    tril = jnp.where(_fiota((T, T), 1) <= _fiota((T, T), 0), 1.0, 0.0)
    Cincl = jnp.dot(tril, O, preferred_element_type=_F)
    pos = jnp.sum(O * (Cincl - 1.0 + offs_excl), axis=1, keepdims=True)
    pos_ref[:] = pos.astype(jnp.int32)

    r = _fiota((NCAND, 1), 0)
    P = jnp.where(r - 16.0 == _fiota((NCAND, C), 1), 1.0, 0.0)
    offs_pad = jnp.sum(P * jnp.broadcast_to(offs_excl, (NCAND, C)),
                       axis=1, keepdims=True)
    counts_pad = jnp.sum(P * jnp.broadcast_to(counts, (NCAND, C)),
                         axis=1, keepdims=True)
    offs_mod = offs_pad - jnp.floor(offs_pad / TILE) * TILE
    validc = (counts_pad > 0.0) & (offs_mod != 0.0)
    scand = jnp.where(r < float(NT), r * TILE,
                      jnp.where(validc, offs_pad, float(T) + r))

    E128 = jnp.where(_fiota((NCAND, NCAND), 0) == _fiota((NCAND, NCAND), 1),
                     1.0, 0.0)

    def row128(xcol):
        return jnp.sum(E128 * jnp.broadcast_to(xcol, (NCAND, NCAND)),
                       axis=0, keepdims=True)

    def bcast128(xrow):
        return jnp.broadcast_to(xrow, (NCAND, NCAND))

    scand_row = row128(scand)
    rank = jnp.sum(jnp.where(scand_row < scand, 1.0, 0.0), axis=1, keepdims=True)
    QT = jnp.where(row128(rank) == _fiota((NCAND, NCAND), 0), 1.0, 0.0)
    s = jnp.sum(QT * bcast128(scand_row), axis=1, keepdims=True)

    valid = s < float(T)
    tile = jnp.where(valid, jnp.floor(s / TILE), float(NT - 1))
    lo = jnp.where(valid, s - jnp.floor(s / TILE) * TILE, float(TILE))
    SH = jnp.where(_fiota((NCAND, NCAND), 1) == _fiota((NCAND, NCAND), 0) + 1.0,
                   1.0, 0.0)
    next_s = jnp.sum(SH * bcast128(row128(s)), axis=1, keepdims=True)
    next_tile = jnp.floor(next_s / TILE)
    hi = jnp.where((next_s < float(T)) & (next_tile == tile),
                   next_s - next_tile * TILE, float(TILE))
    sclamp = jnp.minimum(s, float(T - 1))
    cls = jnp.sum(jnp.where(jnp.broadcast_to(offs_incl, (NCAND, C)) <= sclamp,
                            1.0, 0.0), axis=1, keepdims=True)
    SHp = jnp.where(_fiota((NCAND, NCAND), 1) == _fiota((NCAND, NCAND), 0) - 1.0,
                    1.0, 0.0)
    prev_tile = jnp.sum(SHp * bcast128(row128(tile)), axis=1, keepdims=True)
    first = jnp.where((r == 0.0) | (tile != prev_tile), 1.0, 0.0)

    tile_ref[:] = tile.astype(jnp.int32)
    cls_ref[:] = cls.astype(jnp.int32)
    lo_ref[:] = lo.astype(jnp.int32)
    hi_ref[:] = hi.astype(jnp.int32)
    first_ref[:] = first.astype(jnp.int32)


def _route(inds2):
    shapes = ([jax.ShapeDtypeStruct((T, 1), jnp.int32)]
              + [jax.ShapeDtypeStruct((NCAND, 1), jnp.int32)] * 5)
    return pl.pallas_call(_route_body, out_shape=shapes)(inds2)


def _mm_body(tile_ref, cls_ref, lo_ref, hi_ref, first_ref,
             xs_ref, w_ref, b_ref, out_ref):
    j = pl.program_id(0)
    lo = lo_ref[j]
    hi = hi_ref[j]
    first = first_ref[j]
    riota = lax.broadcasted_iota(jnp.int32, (TILE, 1), 0)
    mask = (riota >= lo) & (riota < hi)

    def contrib():
        xm = jnp.where(mask, xs_ref[:], 0.0)
        return (jnp.dot(xm, w_ref[0], preferred_element_type=_F)
                + jnp.where(mask, b_ref[0], 0.0))

    @pl.when(first == 1)
    def _init():
        out_ref[:] = contrib()

    @pl.when((first == 0) & (lo < hi))
    def _acc():
        out_ref[:] += contrib()


def _grouped_matmul(tile_t, cls_t, lo_t, hi_t, first_t, xs, w, b):
    grid_spec = pltpu.PrefetchScalarGridSpec(
        num_scalar_prefetch=5,
        grid=(NITEMS,),
        in_specs=[
            pl.BlockSpec((TILE, M), lambda j, ti, cl, lo, hi, fi: (ti[j], 0)),
            pl.BlockSpec((1, M, N), lambda j, ti, cl, lo, hi, fi: (cl[j], 0, 0)),
            pl.BlockSpec((1, 1, N), lambda j, ti, cl, lo, hi, fi: (cl[j], 0, 0)),
        ],
        out_specs=pl.BlockSpec((TILE, N), lambda j, ti, cl, lo, hi, fi: (ti[j], 0)),
    )
    return pl.pallas_call(
        _mm_body,
        grid_spec=grid_spec,
        out_shape=jax.ShapeDtypeStruct((T, N), jnp.float32),
        compiler_params=pltpu.CompilerParams(
            dimension_semantics=("arbitrary",),
        ),
    )(tile_t, cls_t, lo_t, hi_t, first_t, xs, w, b)


@functools.cache
def _sc_kernels():
    info = plsc.get_sparse_core_info()
    nc = info.num_cores
    nw = nc * info.num_subcores
    rpw = T // nw
    mesh = plsc.VectorSubcoreMesh(core_axis_name="c", subcore_axis_name="s")

    @functools.partial(
        pl.kernel,
        out_type=jax.ShapeDtypeStruct((T, M), jnp.float32),
        mesh=mesh,
        scratch_types=[
            pltpu.VMEM((rpw,), jnp.int32),
            pltpu.VMEM((rpw, M), jnp.float32),
            pltpu.SemaphoreType.DMA,
        ],
    )
    def scatter_rows(pos_hbm, x_hbm, xs_hbm, idx_v, rows_v, sem):
        wid = lax.axis_index("s") * nc + lax.axis_index("c")
        base = wid * rpw
        pltpu.sync_copy(pos_hbm.at[pl.ds(base, rpw)], idx_v)
        pltpu.sync_copy(x_hbm.at[pl.ds(base, rpw)], rows_v)
        pltpu.async_copy(rows_v, xs_hbm.at[idx_v], sem).wait()

    @functools.partial(
        pl.kernel,
        out_type=jax.ShapeDtypeStruct((T, N), jnp.float32),
        mesh=mesh,
        scratch_types=[
            pltpu.VMEM((rpw,), jnp.int32),
            pltpu.VMEM((rpw, N), jnp.float32),
            pltpu.SemaphoreType.DMA,
        ],
    )
    def gather_rows(pos_hbm, outs_hbm, out_hbm, idx_v, rows_v, sem):
        wid = lax.axis_index("s") * nc + lax.axis_index("c")
        base = wid * rpw
        pltpu.sync_copy(pos_hbm.at[pl.ds(base, rpw)], idx_v)
        pltpu.async_copy(outs_hbm.at[idx_v], rows_v, sem).wait()
        pltpu.sync_copy(rows_v, out_hbm.at[pl.ds(base, rpw)])

    return scatter_rows, gather_rows


def kernel(x, inds, w, b):
    inds2 = inds.astype(jnp.int32).reshape(T, 1)
    pos, tile_t, cls_t, lo_t, hi_t, first_t = _route(inds2)
    pos1 = pos.reshape(T)
    tables = [a.reshape(NCAND)[:NITEMS] for a in (tile_t, cls_t, lo_t, hi_t, first_t)]
    scatter_rows, gather_rows = _sc_kernels()
    xs = scatter_rows(pos1, x)
    outs = _grouped_matmul(*tables, xs, w, b)
    return gather_rows(pos1, outs)

# --- scband reference (transcript-rebuilt; emitter-appended) ---
"""Pipeline reference for scband-ref-cond-mul-65472481460821 (READ-ONLY COPY).

The authoritative reference and input builder live on the scoring server;
editing this copy changes nothing except your own understanding.
"""

import jax, jax.numpy as jnp
import numpy as np
import math

CLASSES = 64
M = 256
N = 256

def setup_inputs(seed: int = 0) -> dict:
    key = jax.random.key(seed)
    k1, k2, k3, k4 = jax.random.split(key, 4)
    x = jax.random.normal(k1, (2048, M), dtype=jnp.float32)
    inds = jax.random.randint(k2, (2048,), 0, CLASSES, dtype=jnp.int64)
    kk = math.sqrt(1.0 / float(M))
    w = jax.random.uniform(k3, (CLASSES, M, N), dtype=jnp.float32) * kk * 2.0 - kk
    b = jax.random.uniform(k4, (CLASSES, 1, N), dtype=jnp.float32) * kk * 2.0 - kk
    return {"x": x, "inds": inds, "w": w, "b": b}

def reference(x, inds, w, b):
    # x is 2D [T, m]: transpose(1, ndim-1) == transpose(1,1) is identity
    old_shape_2 = list(x.shape)
    xr = x.reshape((-1, 1, M))
    inds_f = inds.reshape(-1)
    bg = jnp.take(b, inds_f, axis=0)      # [T, 1, N] gather
    wg = jnp.take(w, inds_f, axis=0)      # [T, M, N] gather (memory-dominant)
    out = jnp.matmul(xr, wg) + bg         # [T, 1, N]
    old_shape_2[-1] = N
    out = out.reshape(old_shape_2)        # [T, N]
    return out

if __name__ == "__main__":
    import jax
    _d = setup_inputs()
    print(jax.jit(kernel)(*tuple(_d.values())))

</pallas_src>

<mosaic_0001>
#map = affine_map<(d0, d1) -> (0)>
#map1 = affine_map<(d0, d1) -> (0, 0)>
module attributes {stable_mosaic.version = 14 : i64} {
  func.func @scatter_rows(%arg0: i32, %arg1: i32, %arg2: memref<2048xi32, #tpu.memory_space<hbm>>, %arg3: memref<2048x256xf32, #tpu.memory_space<hbm>>, %arg4: memref<2048x256xf32, #tpu.memory_space<hbm>>, %arg5: memref<64xi32, #tpu.memory_space<vmem>>, %arg6: memref<64x256xf32, #tpu.memory_space<vmem>>, %arg7: memref<!tpu.dma_semaphore, #tpu.memory_space<semaphore_mem>>) attributes {dimension_semantics = [#tpu.dimension_semantics<core_parallel>, #tpu.dimension_semantics<subcore_parallel>], iteration_bounds = array<i64: 2, 16>, scalar_prefetch = 0 : i64, scratch_operands = 3 : i64, tpu.core_type = #tpu.core_type<sc_vector_subcore>, window_params = [{transform_indices = #map}, {transform_indices = #map1}, {transform_indices = #map1}]} {
    %mul3A = arith.constant 2 : i32
    %mul3A_0 = arith.muli %arg1, %mul3A : i32
    %add3A = arith.addi %mul3A_0, %arg0 : i32
    %mul3A_1 = arith.constant 64 : i32
    %mul3A_2 = arith.muli %add3A, %mul3A_1 : i32
    "tpu.region"() ({
      %run_scoped3A = tpu.sem_alloc : memref<!tpu.dma_semaphore, #tpu.memory_space<semaphore_mem>>
      %dma_start3A_7 = tpu.memref_slice %arg2[%mul3A_2] : memref<2048xi32, #tpu.memory_space<hbm>> -> memref<64xi32, #tpu.memory_space<hbm>>
      %dma_start3A_8 = tpu.memref_slice %arg2[%mul3A_2] : memref<2048xi32, #tpu.memory_space<hbm>> -> memref<64xi32, #tpu.memory_space<hbm>>
      tpu.enqueue_dma source(%dma_start3A_8 : memref<64xi32, #tpu.memory_space<hbm>>) target(%arg5 : memref<64xi32, #tpu.memory_space<vmem>>) target_semaphore(%run_scoped3A : memref<!tpu.dma_semaphore, #tpu.memory_space<semaphore_mem>>)
      %dma_wait3A_9 = tpu.memref_slice %arg2[%mul3A_2] : memref<2048xi32, #tpu.memory_space<hbm>> -> memref<64xi32, #tpu.memory_space<hbm>>
      %dma_wait3A_10 = tpu.memref_slice %arg2[%mul3A_2] : memref<2048xi32, #tpu.memory_space<hbm>> -> memref<64xi32, #tpu.memory_space<hbm>>
      tpu.wait_dma2 semaphore(%run_scoped3A : memref<!tpu.dma_semaphore, #tpu.memory_space<semaphore_mem>>) src(%dma_wait3A_10 : memref<64xi32, #tpu.memory_space<hbm>>) dst(%arg5 : memref<64xi32, #tpu.memory_space<vmem>>)
      tpu.yield
    }) : () -> ()
    "tpu.region"() ({
      %run_scoped3A = tpu.sem_alloc : memref<!tpu.dma_semaphore, #tpu.memory_space<semaphore_mem>>
      %dma_start3A_7 = arith.constant 0 : i32
      %dma_start3A_8 = tpu.memref_slice %arg3[%mul3A_2, %dma_start3A_7] : memref<2048x256xf32, #tpu.memory_space<hbm>> -> memref<64x256xf32, #tpu.memory_space<hbm>>
      %dma_start3A_9 = arith.constant 0 : i32
      %dma_start3A_10 = tpu.memref_slice %arg3[%mul3A_2, %dma_start3A_9] : memref<2048x256xf32, #tpu.memory_space<hbm>> -> memref<64x256xf32, #tpu.memory_space<hbm>>
      tpu.enqueue_dma source(%dma_start3A_10 : memref<64x256xf32, #tpu.memory_space<hbm>>) target(%arg6 : memref<64x256xf32, #tpu.memory_space<vmem>>) target_semaphore(%run_scoped3A : memref<!tpu.dma_semaphore, #tpu.memory_space<semaphore_mem>>)
      %dma_wait3A_11 = arith.constant 0 : i32
      %dma_wait3A_12 = tpu.memref_slice %arg3[%mul3A_2, %dma_wait3A_11] : memref<2048x256xf32, #tpu.memory_space<hbm>> -> memref<64x256xf32, #tpu.memory_space<hbm>>
      %dma_wait3A_13 = arith.constant 0 : i32
      %dma_wait3A_14 = tpu.memref_slice %arg3[%mul3A_2, %dma_wait3A_13] : memref<2048x256xf32, #tpu.memory_space<hbm>> -> memref<64x256xf32, #tpu.memory_space<hbm>>
      tpu.wait_dma2 semaphore(%run_scoped3A : memref<!tpu.dma_semaphore, #tpu.memory_space<semaphore_mem>>) src(%dma_wait3A_14 : memref<64x256xf32, #tpu.memory_space<hbm>>) dst(%arg6 : memref<64x256xf32, #tpu.memory_space<vmem>>)
      tpu.yield
    }) : () -> ()
    %dma_start3A = arith.constant 0 : i32
    %dma_start3A_3 = arith.constant 0 : i32
    %dma_start3A_4 = tpu.memref_slice %arg4[%dma_start3A, %dma_start3A_3] : memref<2048x256xf32, #tpu.memory_space<hbm>> -> memref<2048x256xf32, #tpu.memory_space<hbm>>
    tpu.enqueue_indirect_dma source(%arg6 : memref<64x256xf32, #tpu.memory_space<vmem>>) target(%dma_start3A_4 : memref<2048x256xf32, #tpu.memory_space<hbm>>) offsets(%arg5 : memref<64xi32, #tpu.memory_space<vmem>>) semaphore(%arg7 : memref<!tpu.dma_semaphore, #tpu.memory_space<semaphore_mem>>)
    %dma_wait3A = arith.constant 0 : i32
    %dma_wait3A_5 = arith.constant 0 : i32
    %dma_wait3A_6 = tpu.memref_slice %arg4[%dma_wait3A, %dma_wait3A_5] : memref<2048x256xf32, #tpu.memory_space<hbm>> -> memref<2048x256xf32, #tpu.memory_space<hbm>>
    tpu.wait_indirect_dma semaphore(%arg7 : memref<!tpu.dma_semaphore, #tpu.memory_space<semaphore_mem>>) src(%arg6 : memref<64x256xf32, #tpu.memory_space<vmem>>) dst(%dma_wait3A_6 : memref<2048x256xf32, #tpu.memory_space<hbm>>)
    return
  }
}

#map = affine_map<(d0, d1) -> (0)>
#map1 = affine_map<(d0, d1) -> (0, 0)>
module attributes {stable_mosaic.version = 14 : i64} {
  func.func @gather_rows(%arg0: i32, %arg1: i32, %arg2: memref<2048xi32, #tpu.memory_space<hbm>>, %arg3: memref<2048x256xf32, #tpu.memory_space<hbm>>, %arg4: memref<2048x256xf32, #tpu.memory_space<hbm>>, %arg5: memref<64xi32, #tpu.memory_space<vmem>>, %arg6: memref<64x256xf32, #tpu.memory_space<vmem>>, %arg7: memref<!tpu.dma_semaphore, #tpu.memory_space<semaphore_mem>>) attributes {dimension_semantics = [#tpu.dimension_semantics<core_parallel>, #tpu.dimension_semantics<subcore_parallel>], iteration_bounds = array<i64: 2, 16>, scalar_prefetch = 0 : i64, scratch_operands = 3 : i64, tpu.core_type = #tpu.core_type<sc_vector_subcore>, window_params = [{transform_indices = #map}, {transform_indices = #map1}, {transform_indices = #map1}]} {
    %mul3A = arith.constant 2 : i32
    %mul3A_0 = arith.muli %arg1, %mul3A : i32
    %add3A = arith.addi %mul3A_0, %arg0 : i32
    %mul3A_1 = arith.constant 64 : i32
    %mul3A_2 = arith.muli %add3A, %mul3A_1 : i32
    "tpu.region"() ({
      %run_scoped3A = tpu.sem_alloc : memref<!tpu.dma_semaphore, #tpu.memory_space<semaphore_mem>>
      %dma_start3A_7 = tpu.memref_slice %arg2[%mul3A_2] : memref<2048xi32, #tpu.memory_space<hbm>> -> memref<64xi32, #tpu.memory_space<hbm>>
      %dma_start3A_8 = tpu.memref_slice %arg2[%mul3A_2] : memref<2048xi32, #tpu.memory_space<hbm>> -> memref<64xi32, #tpu.memory_space<hbm>>
      tpu.enqueue_dma source(%dma_start3A_8 : memref<64xi32, #tpu.memory_space<hbm>>) target(%arg5 : memref<64xi32, #tpu.memory_space<vmem>>) target_semaphore(%run_scoped3A : memref<!tpu.dma_semaphore, #tpu.memory_space<semaphore_mem>>)
      %dma_wait3A_9 = tpu.memref_slice %arg2[%mul3A_2] : memref<2048xi32, #tpu.memory_space<hbm>> -> memref<64xi32, #tpu.memory_space<hbm>>
      %dma_wait3A_10 = tpu.memref_slice %arg2[%mul3A_2] : memref<2048xi32, #tpu.memory_space<hbm>> -> memref<64xi32, #tpu.memory_space<hbm>>
      tpu.wait_dma2 semaphore(%run_scoped3A : memref<!tpu.dma_semaphore, #tpu.memory_space<semaphore_mem>>) src(%dma_wait3A_10 : memref<64xi32, #tpu.memory_space<hbm>>) dst(%arg5 : memref<64xi32, #tpu.memory_space<vmem>>)
      tpu.yield
    }) : () -> ()
    %dma_start3A = arith.constant 0 : i32
    %dma_start3A_3 = arith.constant 0 : i32
    %dma_start3A_4 = tpu.memref_slice %arg3[%dma_start3A, %dma_start3A_3] : memref<2048x256xf32, #tpu.memory_space<hbm>> -> memref<2048x256xf32, #tpu.memory_space<hbm>>
    tpu.enqueue_indirect_dma source(%dma_start3A_4 : memref<2048x256xf32, #tpu.memory_space<hbm>>) target(%arg6 : memref<64x256xf32, #tpu.memory_space<vmem>>) offsets(%arg5 : memref<64xi32, #tpu.memory_space<vmem>>) semaphore(%arg7 : memref<!tpu.dma_semaphore, #tpu.memory_space<semaphore_mem>>)
    %dma_wait3A = arith.constant 0 : i32
    %dma_wait3A_5 = arith.constant 0 : i32
    %dma_wait3A_6 = tpu.memref_slice %arg3[%dma_wait3A, %dma_wait3A_5] : memref<2048x256xf32, #tpu.memory_space<hbm>> -> memref<2048x256xf32, #tpu.memory_space<hbm>>
    tpu.wait_indirect_dma semaphore(%arg7 : memref<!tpu.dma_semaphore, #tpu.memory_space<semaphore_mem>>) src(%dma_wait3A_6 : memref<2048x256xf32, #tpu.memory_space<hbm>>) dst(%arg6 : memref<64x256xf32, #tpu.memory_space<vmem>>)
    "tpu.region"() ({
      %run_scoped3A = tpu.sem_alloc : memref<!tpu.dma_semaphore, #tpu.memory_space<semaphore_mem>>
      %dma_start3A_7 = arith.constant 0 : i32
      %dma_start3A_8 = tpu.memref_slice %arg4[%mul3A_2, %dma_start3A_7] : memref<2048x256xf32, #tpu.memory_space<hbm>> -> memref<64x256xf32, #tpu.memory_space<hbm>>
      %dma_start3A_9 = arith.constant 0 : i32
      %dma_start3A_10 = tpu.memref_slice %arg4[%mul3A_2, %dma_start3A_9] : memref<2048x256xf32, #tpu.memory_space<hbm>> -> memref<64x256xf32, #tpu.memory_space<hbm>>
      tpu.enqueue_dma source(%arg6 : memref<64x256xf32, #tpu.memory_space<vmem>>) target(%dma_start3A_10 : memref<64x256xf32, #tpu.memory_space<hbm>>) target_semaphore(%run_scoped3A : memref<!tpu.dma_semaphore, #tpu.memory_space<semaphore_mem>>)
      %dma_wait3A_11 = arith.constant 0 : i32
      %dma_wait3A_12 = tpu.memref_slice %arg4[%mul3A_2, %dma_wait3A_11] : memref<2048x256xf32, #tpu.memory_space<hbm>> -> memref<64x256xf32, #tpu.memory_space<hbm>>
      %dma_wait3A_13 = arith.constant 0 : i32
      %dma_wait3A_14 = tpu.memref_slice %arg4[%mul3A_2, %dma_wait3A_13] : memref<2048x256xf32, #tpu.memory_space<hbm>> -> memref<64x256xf32, #tpu.memory_space<hbm>>
      tpu.wait_dma2 semaphore(%run_scoped3A : memref<!tpu.dma_semaphore, #tpu.memory_space<semaphore_mem>>) src(%arg6 : memref<64x256xf32, #tpu.memory_space<vmem>>) dst(%dma_wait3A_14 : memref<64x256xf32, #tpu.memory_space<hbm>>)
      tpu.yield
    }) : () -> ()
    return
  }
}

module attributes {stable_mosaic.version = 14 : i64} {
  func.func @_mm_body(%arg0: i32, %arg1: memref<80xi32, #tpu.memory_space<smem>>, %arg2: memref<80xi32, #tpu.memory_space<smem>>, %arg3: memref<80xi32, #tpu.memory_space<smem>>, %arg4: memref<80xi32, #tpu.memory_space<smem>>, %arg5: memref<80xi32, #tpu.memory_space<smem>>, %arg6: memref<128x256xf32, #tpu.memory_space<vmem>>, %arg7: memref<1x256x256xf32, #tpu.memory_space<vmem>>, %arg8: memref<1x1x256xf32, #tpu.memory_space<vmem>>, %arg9: memref<128x256xf32, #tpu.memory_space<vmem>>) attributes {dimension_semantics = [#tpu.dimension_semantics<arbitrary>], iteration_bounds = array<i64: 80>, scalar_prefetch = 5 : i64, scratch_operands = 0 : i64, tpu.core_type = #tpu.core_type<tc>, window_params = [{transform_indices = @transform_0, window_bounds = array<i64: 128, 256>}, {transform_indices = @transform_1, window_bounds = array<i64: 1, 256, 256>}, {transform_indices = @transform_2, window_bounds = array<i64: 1, 1, 256>}, {transform_indices = @transform_3, window_bounds = array<i64: 128, 256>}]} {
    %get3A = arith.index_cast %arg0 : i32 to index
    %get3A_0 = memref.load %arg3[%get3A] : memref<80xi32, #tpu.memory_space<smem>>
    %get3A_1 = arith.index_cast %arg0 : i32 to index
    %get3A_2 = memref.load %arg4[%get3A_1] : memref<80xi32, #tpu.memory_space<smem>>
    %get3A_3 = arith.index_cast %arg0 : i32 to index
    %get3A_4 = memref.load %arg5[%get3A_3] : memref<80xi32, #tpu.memory_space<smem>>
    %iota3A = tpu.iota {dimensions = array<i32: 0>} : vector<128x1xi32>
    %ge3A = vector.broadcast %get3A_0 : i32 to vector<128x1xi32>
    %ge3A_5 = arith.cmpi sge, %iota3A, %ge3A : vector<128x1xi32>
    %lt3A = vector.broadcast %get3A_2 : i32 to vector<128x1xi32>
    %lt3A_6 = arith.cmpi slt, %iota3A, %lt3A : vector<128x1xi32>
    %and3A = arith.andi %ge3A_5, %lt3A_6 : vector<128x1xi1>
    %eq3A = arith.constant 1 : i32
    %eq3A_7 = arith.cmpi eq, %get3A_4, %eq3A : i32
    %convert_element_type3A = arith.extui %eq3A_7 : i1 to i32
    %cond3A = arith.constant 0 : i32
    %cond3A_8 = arith.cmpi ne, %convert_element_type3A, %cond3A : i32
    scf.if %cond3A_8 {
      %get3A_16 = arith.constant 0 : index
      %get3A_17 = arith.constant 0 : index
      %get3A_18 = vector.load %arg6[%get3A_16, %get3A_17] : memref<128x256xf32, #tpu.memory_space<vmem>>, vector<128x256xf32>
      %jit3A = arith.constant 0.000000e+00 : f32
      %broadcast_in_dim3A = vector.shape_cast %and3A : vector<128x1xi1> to vector<128x1xi1>
      %broadcast_in_dim3A_19 = vector.broadcast %broadcast_in_dim3A : vector<128x1xi1> to vector<128x256xi1>
      %broadcast_in_dim3A_20 = vector.broadcast %jit3A : f32 to vector<128x256xf32>
      %select_n3A = arith.select %broadcast_in_dim3A_19, %get3A_18, %broadcast_in_dim3A_20 : vector<128x256xi1>, vector<128x256xf32>
      %get3A_21 = arith.constant 0 : index
      %get3A_22 = arith.constant 0 : index
      %get3A_23 = arith.constant 0 : index
      %get3A_24 = vector.load %arg7[%get3A_21, %get3A_22, %get3A_23] : memref<1x256x256xf32, #tpu.memory_space<vmem>>, vector<1x256x256xf32>
      %get3A_25 = vector.shape_cast %get3A_24 : vector<1x256x256xf32> to vector<256x256xf32>
      %dot_general3A = arith.constant dense<0.000000e+00> : vector<128x256xf32>
      %dot_general3A_26 = tpu.matmul %select_n3A, %get3A_25, %dot_general3A {dimension_numbers = #tpu.dot_dimension_numbers<[1], [0], [0], [1], [0, 0, 1, 1], [], []>, transpose_lhs_hint = false} : vector<128x256xf32>, vector<256x256xf32>, vector<128x256xf32> -> vector<128x256xf32>
      %get3A_27 = arith.constant 0 : index
      %get3A_28 = arith.constant 0 : index
      %get3A_29 = arith.constant 0 : index
      %get3A_30 = vector.load %arg8[%get3A_27, %get3A_28, %get3A_29] : memref<1x1x256xf32, #tpu.memory_space<vmem>>, vector<1x1x256xf32>
      %get3A_31 = vector.shape_cast %get3A_30 : vector<1x1x256xf32> to vector<1x256xf32>
      %jit3A_32 = arith.constant 0.000000e+00 : f32
      %broadcast_in_dim3A_33 = vector.shape_cast %and3A : vector<128x1xi1> to vector<128x1xi1>
      %broadcast_in_dim3A_34 = vector.broadcast %broadcast_in_dim3A_33 : vector<128x1xi1> to vector<128x256xi1>
      %broadcast_in_dim3A_35 = vector.shape_cast %get3A_31 : vector<1x256xf32> to vector<1x256xf32>
      %broadcast_in_dim3A_36 = vector.broadcast %broadcast_in_dim3A_35 : vector<1x256xf32> to vector<128x256xf32>
      %broadcast_in_dim3A_37 = vector.broadcast %jit3A_32 : f32 to vector<128x256xf32>
      %select_n3A_38 = arith.select %broadcast_in_dim3A_34, %broadcast_in_dim3A_36, %broadcast_in_dim3A_37 : vector<128x256xi1>, vector<128x256xf32>
      %add3A = arith.addf %dot_general3A_26, %select_n3A_38 : vector<128x256xf32>
      %swap3A = arith.constant 0 : index
      %swap3A_39 = arith.constant 0 : index
      %swap3A_40 = vector.load %arg9[%swap3A, %swap3A_39] : memref<128x256xf32, #tpu.memory_space<vmem>>, vector<128x256xf32>
      tpu.vector_store %arg9[%swap3A, %swap3A_39], %add3A {strides = array<i32>} : memref<128x256xf32, #tpu.memory_space<vmem>>, vector<128x256xf32>,
    } else {
    }
    %eq3A_9 = arith.constant 0 : i32
    %eq3A_10 = arith.cmpi eq, %get3A_4, %eq3A_9 : i32
    %lt3A_11 = arith.cmpi slt, %get3A_0, %get3A_2 : i32
    %and3A_12 = arith.andi %eq3A_10, %lt3A_11 : i1
    %convert_element_type3A_13 = arith.extui %and3A_12 : i1 to i32
    %cond3A_14 = arith.constant 0 : i32
    %cond3A_15 = arith.cmpi ne, %convert_element_type3A_13, %cond3A_14 : i32
    scf.if %cond3A_15 {
      %get3A_16 = arith.constant 0 : index
      %get3A_17 = arith.constant 0 : index
      %get3A_18 = vector.load %arg9[%get3A_16, %get3A_17] : memref<128x256xf32, #tpu.memory_space<vmem>>, vector<128x256xf32>
      %get3A_19 = arith.constant 0 : index
      %get3A_20 = arith.constant 0 : index
      %get3A_21 = vector.load %arg6[%get3A_19, %get3A_20] : memref<128x256xf32, #tpu.memory_space<vmem>>, vector<128x256xf32>
      %jit3A = arith.constant 0.000000e+00 : f32
      %broadcast_in_dim3A = vector.shape_cast %and3A : vector<128x1xi1> to vector<128x1xi1>
      %broadcast_in_dim3A_22 = vector.broadcast %broadcast_in_dim3A : vector<128x1xi1> to vector<128x256xi1>
      %broadcast_in_dim3A_23 = vector.broadcast %jit3A : f32 to vector<128x256xf32>
      %select_n3A = arith.select %broadcast_in_dim3A_22, %get3A_21, %broadcast_in_dim3A_23 : vector<128x256xi1>, vector<128x256xf32>
      %get3A_24 = arith.constant 0 : index
      %get3A_25 = arith.constant 0 : index
      %get3A_26 = arith.constant 0 : index
      %get3A_27 = vector.load %arg7[%get3A_24, %get3A_25, %get3A_26] : memref<1x256x256xf32, #tpu.memory_space<vmem>>, vector<1x256x256xf32>
      %get3A_28 = vector.shape_cast %get3A_27 : vector<1x256x256xf32> to vector<256x256xf32>
      %dot_general3A = arith.constant dense<0.000000e+00> : vector<128x256xf32>
      %dot_general3A_29 = tpu.matmul %select_n3A, %get3A_28, %dot_general3A {dimension_numbers = #tpu.dot_dimension_numbers<[1], [0], [0], [1], [0, 0, 1, 1], [], []>, transpose_lhs_hint = false} : vector<128x256xf32>, vector<256x256xf32>, vector<128x256xf32> -> vector<128x256xf32>
      %get3A_30 = arith.constant 0 : index
      %get3A_31 = arith.constant 0 : index
      %get3A_32 = arith.constant 0 : index
      %get3A_33 = vector.load %arg8[%get3A_30, %get3A_31, %get3A_32] : memref<1x1x256xf32, #tpu.memory_space<vmem>>, vector<1x1x256xf32>
      %get3A_34 = vector.shape_cast %get3A_33 : vector<1x1x256xf32> to vector<1x256xf32>
      %jit3A_35 = arith.constant 0.000000e+00 : f32
      %broadcast_in_dim3A_36 = vector.shape_cast %and3A : vector<128x1xi1> to vector<128x1xi1>
      %broadcast_in_dim3A_37 = vector.broadcast %broadcast_in_dim3A_36 : vector<128x1xi1> to vector<128x256xi1>
      %broadcast_in_dim3A_38 = vector.shape_cast %get3A_34 : vector<1x256xf32> to vector<1x256xf32>
      %broadcast_in_dim3A_39 = vector.broadcast %broadcast_in_dim3A_38 : vector<1x256xf32> to vector<128x256xf32>
      %broadcast_in_dim3A_40 = vector.broadcast %jit3A_35 : f32 to vector<128x256xf32>
      %select_n3A_41 = arith.select %broadcast_in_dim3A_37, %broadcast_in_dim3A_39, %broadcast_in_dim3A_40 : vector<128x256xi1>, vector<128x256xf32>
      %add3A = arith.addf %dot_general3A_29, %select_n3A_41 : vector<128x256xf32>
      %add3A_42 = arith.addf %get3A_18, %add3A : vector<128x256xf32>
      %swap3A = arith.constant 0 : index
      %swap3A_43 = arith.constant 0 : index
      %swap3A_44 = vector.load %arg9[%swap3A, %swap3A_43] : memref<128x256xf32, #tpu.memory_space<vmem>>, vector<128x256xf32>
      tpu.vector_store %arg9[%swap3A, %swap3A_43], %add3A_42 {strides = array<i32>} : memref<128x256xf32, #tpu.memory_space<vmem>>, vector<128x256xf32>,
    } else {
    }
    return
  }
  func.func @transform_0(%arg0: i32, %arg1: memref<80xi32, #tpu.memory_space<smem>>, %arg2: memref<80xi32, #tpu.memory_space<smem>>, %arg3: memref<80xi32, #tpu.memory_space<smem>>, %arg4: memref<80xi32, #tpu.memory_space<smem>>, %arg5: memref<80xi32, #tpu.memory_space<smem>>) -> (i32, i32) {
    %get3A = arith.index_cast %arg0 : i32 to index
    %get3A_0 = memref.load %arg1[%get3A] : memref<80xi32, #tpu.memory_space<smem>>
    %c0_i32 = arith.constant 0 : i32
    %c0_i32_1 = arith.constant 0 : i32
    return %get3A_0, %c0_i32 : i32, i32
  }
  func.func @transform_1(%arg0: i32, %arg1: memref<80xi32, #tpu.memory_space<smem>>, %arg2: memref<80xi32, #tpu.memory_space<smem>>, %arg3: memref<80xi32, #tpu.memory_space<smem>>, %arg4: memref<80xi32, #tpu.memory_space<smem>>, %arg5: memref<80xi32, #tpu.memory_space<smem>>) -> (i32, i32, i32) {
    %get3A = arith.index_cast %arg0 : i32 to index
    %get3A_0 = memref.load %arg2[%get3A] : memref<80xi32, #tpu.memory_space<smem>>
    %c0_i32 = arith.constant 0 : i32
    %c0_i32_1 = arith.constant 0 : i32
    %c0_i32_2 = arith.constant 0 : i32
    return %get3A_0, %c0_i32, %c0_i32_1 : i32, i32, i32
  }
  func.func @transform_2(%arg0: i32, %arg1: memref<80xi32, #tpu.memory_space<smem>>, %arg2: memref<80xi32, #tpu.memory_space<smem>>, %arg3: memref<80xi32, #tpu.memory_space<smem>>, %arg4: memref<80xi32, #tpu.memory_space<smem>>, %arg5: memref<80xi32, #tpu.memory_space<smem>>) -> (i32, i32, i32) {
    %get3A = arith.index_cast %arg0 : i32 to index
    %get3A_0 = memref.load %arg2[%get3A] : memref<80xi32, #tpu.memory_space<smem>>
    %c0_i32 = arith.constant 0 : i32
    %c0_i32_1 = arith.constant 0 : i32
    %c0_i32_2 = arith.constant 0 : i32
    return %get3A_0, %c0_i32, %c0_i32_1 : i32, i32, i32
  }
  func.func @transform_3(%arg0: i32, %arg1: memref<80xi32, #tpu.memory_space<smem>>, %arg2: memref<80xi32, #tpu.memory_space<smem>>, %arg3: memref<80xi32, #tpu.memory_space<smem>>, %arg4: memref<80xi32, #tpu.memory_space<smem>>, %arg5: memref<80xi32, #tpu.memory_space<smem>>) -> (i32, i32) {
    %get3A = arith.index_cast %arg0 : i32 to index
    %get3A_0 = memref.load %arg1[%get3A] : memref<80xi32, #tpu.memory_space<smem>>
    %c0_i32 = arith.constant 0 : i32
    %c0_i32_1 = arith.constant 0 : i32
    return %get3A_0, %c0_i32 : i32, i32
  }
}

module attributes {stable_mosaic.version = 14 : i64} {
  func.func @_route_body(%arg0: memref<2048x1xi32, #tpu.memory_space<vmem>>, %arg1: memref<2048x1xi32, #tpu.memory_space<vmem>>, %arg2: memref<128x1xi32, #tpu.memory_space<vmem>>, %arg3: memref<128x1xi32, #tpu.memory_space<vmem>>, %arg4: memref<128x1xi32, #tpu.memory_space<vmem>>, %arg5: memref<128x1xi32, #tpu.memory_space<vmem>>, %arg6: memref<128x1xi32, #tpu.memory_space<vmem>>) attributes {dimension_semantics = [], scalar_prefetch = 0 : i64, scratch_operands = 0 : i64, tpu.core_type = #tpu.core_type<tc>} {
    %get3A = arith.constant 0 : index
    %get3A_0 = arith.constant 0 : index
    %get3A_1 = vector.load %arg0[%get3A, %get3A_0] : memref<2048x1xi32, #tpu.memory_space<vmem>>, vector<2048x1xi32>
    %convert_element_type3A = arith.sitofp %get3A_1 : vector<2048x1xi32> to vector<2048x1xf32>
    %iota3A = tpu.iota {dimensions = array<i32: 1>} : vector<2048x64xi32>
    %convert_element_type3A_2 = arith.sitofp %iota3A : vector<2048x64xi32> to vector<2048x64xf32>
    %eq3A = vector.broadcast %convert_element_type3A : vector<2048x1xf32> to vector<2048x64xf32>
    %eq3A_3 = arith.cmpf oeq, %eq3A, %convert_element_type3A_2 : vector<2048x64xf32>
    %jit3A = arith.constant 1.000000e+00 : f32
    %jit3A_4 = arith.constant 0.000000e+00 : f32
    %broadcast_in_dim3A = vector.broadcast %jit3A : f32 to vector<2048x64xf32>
    %broadcast_in_dim3A_5 = vector.broadcast %jit3A_4 : f32 to vector<2048x64xf32>
    %select_n3A = arith.select %eq3A_3, %broadcast_in_dim3A, %broadcast_in_dim3A_5 : vector<2048x64xi1>, vector<2048x64xf32>
    %reduce_sum3A = arith.constant dense<0.000000e+00> : vector<64xf32>
    %reduce_sum3A_6 = vector.multi_reduction <add>, %select_n3A, %reduce_sum3A [0] : vector<2048x64xf32> to vector<64xf32>
    %broadcast_in_dim3A_7 = vector.shape_cast %reduce_sum3A_6 : vector<64xf32> to vector<1x64xf32>
    %broadcast_in_dim3A_8 = vector.shape_cast %broadcast_in_dim3A_7 : vector<1x64xf32> to vector<1x64xf32>
    %broadcast_in_dim3A_9 = vector.broadcast %broadcast_in_dim3A_8 : vector<1x64xf32> to vector<64x64xf32>
    %iota3A_10 = tpu.iota {dimensions = array<i32: 1>} : vector<64x64xi32>
    %convert_element_type3A_11 = arith.sitofp %iota3A_10 : vector<64x64xi32> to vector<64x64xf32>
    %iota3A_12 = tpu.iota {dimensions = array<i32: 0>} : vector<64x64xi32>
    %convert_element_type3A_13 = arith.sitofp %iota3A_12 : vector<64x64xi32> to vector<64x64xf32>
    %le3A = arith.cmpf ole, %convert_element_type3A_11, %convert_element_type3A_13 : vector<64x64xf32>
    %jit3A_14 = arith.constant 1.000000e+00 : f32
    %jit3A_15 = arith.constant 0.000000e+00 : f32
    %broadcast_in_dim3A_16 = vector.broadcast %jit3A_14 : f32 to vector<64x64xf32>
    %broadcast_in_dim3A_17 = vector.broadcast %jit3A_15 : f32 to vector<64x64xf32>
    %select_n3A_18 = arith.select %le3A, %broadcast_in_dim3A_16, %broadcast_in_dim3A_17 : vector<64x64xi1>, vector<64x64xf32>
    %mul3A = arith.mulf %select_n3A_18, %broadcast_in_dim3A_9 : vector<64x64xf32>
    %reduce_sum3A_19 = arith.constant dense<0.000000e+00> : vector<64xf32>
    %reduce_sum3A_20 = vector.multi_reduction <add>, %mul3A, %reduce_sum3A_19 [1] : vector<64x64xf32> to vector<64xf32>
    %broadcast_in_dim3A_21 = vector.shape_cast %reduce_sum3A_20 : vector<64xf32> to vector<64x1xf32>
    %iota3A_22 = tpu.iota {dimensions = array<i32: 0>} : vector<64x64xi32>
    %convert_element_type3A_23 = arith.sitofp %iota3A_22 : vector<64x64xi32> to vector<64x64xf32>
    %iota3A_24 = tpu.iota {dimensions = array<i32: 1>} : vector<64x64xi32>
    %convert_element_type3A_25 = arith.sitofp %iota3A_24 : vector<64x64xi32> to vector<64x64xf32>
    %eq3A_26 = arith.cmpf oeq, %convert_element_type3A_23, %convert_element_type3A_25 : vector<64x64xf32>
    %jit3A_27 = arith.constant 1.000000e+00 : f32
    %jit3A_28 = arith.constant 0.000000e+00 : f32
    %broadcast_in_dim3A_29 = vector.broadcast %jit3A_27 : f32 to vector<64x64xf32>
    %broadcast_in_dim3A_30 = vector.broadcast %jit3A_28 : f32 to vector<64x64xf32>
    %select_n3A_31 = arith.select %eq3A_26, %broadcast_in_dim3A_29, %broadcast_in_dim3A_30 : vector<64x64xi1>, vector<64x64xf32>
    %mul3A_32 = arith.mulf %select_n3A_31, %broadcast_in_dim3A_9 : vector<64x64xf32>
    %reduce_sum3A_33 = arith.constant dense<0.000000e+00> : vector<64xf32>
    %reduce_sum3A_34 = vector.multi_reduction <add>, %mul3A_32, %reduce_sum3A_33 [1] : vector<64x64xf32> to vector<64xf32>
    %broadcast_in_dim3A_35 = vector.shape_cast %reduce_sum3A_34 : vector<64xf32> to vector<64x1xf32>
    %sub3A = arith.subf %broadcast_in_dim3A_21, %broadcast_in_dim3A_35 : vector<64x1xf32>
    %broadcast_in_dim3A_36 = vector.shape_cast %sub3A : vector<64x1xf32> to vector<64x1xf32>
    %broadcast_in_dim3A_37 = vector.broadcast %broadcast_in_dim3A_36 : vector<64x1xf32> to vector<64x64xf32>
    %mul3A_38 = arith.mulf %select_n3A_31, %broadcast_in_dim3A_37 : vector<64x64xf32>
    %reduce_sum3A_39 = arith.constant dense<0.000000e+00> : vector<64xf32>
    %reduce_sum3A_40 = vector.multi_reduction <add>, %mul3A_38, %reduce_sum3A_39 [0] : vector<64x64xf32> to vector<64xf32>
    %broadcast_in_dim3A_41 = vector.shape_cast %reduce_sum3A_40 : vector<64xf32> to vector<1x64xf32>
    %broadcast_in_dim3A_42 = vector.shape_cast %broadcast_in_dim3A_21 : vector<64x1xf32> to vector<64x1xf32>
    %broadcast_in_dim3A_43 = vector.broadcast %broadcast_in_dim3A_42 : vector<64x1xf32> to vector<64x64xf32>
    %mul3A_44 = arith.mulf %select_n3A_31, %broadcast_in_dim3A_43 : vector<64x64xf32>
    %reduce_sum3A_45 = arith.constant dense<0.000000e+00> : vector<64xf32>
    %reduce_sum3A_46 = vector.multi_reduction <add>, %mul3A_44, %reduce_sum3A_45 [0] : vector<64x64xf32> to vector<64xf32>
    %broadcast_in_dim3A_47 = vector.shape_cast %reduce_sum3A_46 : vector<64xf32> to vector<1x64xf32>
    %iota3A_48 = tpu.iota {dimensions = array<i32: 1>} : vector<2048x2048xi32>
    %convert_element_type3A_49 = arith.sitofp %iota3A_48 : vector<2048x2048xi32> to vector<2048x2048xf32>
    %iota3A_50 = tpu.iota {dimensions = array<i32: 0>} : vector<2048x2048xi32>
    %convert_element_type3A_51 = arith.sitofp %iota3A_50 : vector<2048x2048xi32> to vector<2048x2048xf32>
    %le3A_52 = arith.cmpf ole, %convert_element_type3A_49, %convert_element_type3A_51 : vector<2048x2048xf32>
    %jit3A_53 = arith.constant 1.000000e+00 : f32
    %jit3A_54 = arith.constant 0.000000e+00 : f32
    %broadcast_in_dim3A_55 = vector.broadcast %jit3A_53 : f32 to vector<2048x2048xf32>
    %broadcast_in_dim3A_56 = vector.broadcast %jit3A_54 : f32 to vector<2048x2048xf32>
    %select_n3A_57 = arith.select %le3A_52, %broadcast_in_dim3A_55, %broadcast_in_dim3A_56 : vector<2048x2048xi1>, vector<2048x2048xf32>
    %dot_general3A = arith.constant dense<0.000000e+00> : vector<2048x64xf32>
    %dot_general3A_58 = tpu.matmul %select_n3A_57, %select_n3A, %dot_general3A {dimension_numbers = #tpu.dot_dimension_numbers<[1], [0], [0], [1], [0, 0, 1, 1], [], []>, transpose_lhs_hint = false} : vector<2048x2048xf32>, vector<2048x64xf32>, vector<2048x64xf32> -> vector<2048x64xf32>
    %sub3A_59 = arith.constant 1.000000e+00 : f32
    %sub3A_60 = vector.broadcast %sub3A_59 : f32 to vector<2048x64xf32>
    %sub3A_61 = arith.subf %dot_general3A_58, %sub3A_60 : vector<2048x64xf32>
    %add3A = vector.broadcast %broadcast_in_dim3A_41 : vector<1x64xf32> to vector<2048x64xf32>
    %add3A_62 = arith.addf %sub3A_61, %add3A : vector<2048x64xf32>
    %mul3A_63 = arith.mulf %select_n3A, %add3A_62 : vector<2048x64xf32>
    %reduce_sum3A_64 = arith.constant dense<0.000000e+00> : vector<2048xf32>
    %reduce_sum3A_65 = vector.multi_reduction <add>, %mul3A_63, %reduce_sum3A_64 [1] : vector<2048x64xf32> to vector<2048xf32>
    %broadcast_in_dim3A_66 = vector.shape_cast %reduce_sum3A_65 : vector<2048xf32> to vector<2048x1xf32>
    %convert_element_type3A_67 = arith.fptosi %broadcast_in_dim3A_66 : vector<2048x1xf32> to vector<2048x1xi32>
    %swap3A = arith.constant 0 : index
    %swap3A_68 = arith.constant 0 : index
    %swap3A_69 = vector.load %arg1[%swap3A, %swap3A_68] : memref<2048x1xi32, #tpu.memory_space<vmem>>, vector<2048x1xi32>
    tpu.vector_store %arg1[%swap3A, %swap3A_68], %convert_element_type3A_67 {strides = array<i32>} : memref<2048x1xi32, #tpu.memory_space<vmem>>, vector<2048x1xi32>,
    %iota3A_70 = tpu.iota {dimensions = array<i32: 0>} : vector<128x1xi32>
    %convert_element_type3A_71 = arith.sitofp %iota3A_70 : vector<128x1xi32> to vector<128x1xf32>
    %sub3A_72 = arith.constant 1.600000e+01 : f32
    %sub3A_73 = vector.broadcast %sub3A_72 : f32 to vector<128x1xf32>
    %sub3A_74 = arith.subf %convert_element_type3A_71, %sub3A_73 : vector<128x1xf32>
    %iota3A_75 = tpu.iota {dimensions = array<i32: 1>} : vector<128x64xi32>
    %convert_element_type3A_76 = arith.sitofp %iota3A_75 : vector<128x64xi32> to vector<128x64xf32>
    %eq3A_77 = vector.broadcast %sub3A_74 : vector<128x1xf32> to vector<128x64xf32>
    %eq3A_78 = arith.cmpf oeq, %eq3A_77, %convert_element_type3A_76 : vector<128x64xf32>
    %jit3A_79 = arith.constant 1.000000e+00 : f32
    %jit3A_80 = arith.constant 0.000000e+00 : f32
    %broadcast_in_dim3A_81 = vector.broadcast %jit3A_79 : f32 to vector<128x64xf32>
    %broadcast_in_dim3A_82 = vector.broadcast %jit3A_80 : f32 to vector<128x64xf32>
    %select_n3A_83 = arith.select %eq3A_78, %broadcast_in_dim3A_81, %broadcast_in_dim3A_82 : vector<128x64xi1>, vector<128x64xf32>
    %broadcast_in_dim3A_84 = vector.shape_cast %broadcast_in_dim3A_41 : vector<1x64xf32> to vector<1x64xf32>
    %broadcast_in_dim3A_85 = vector.broadcast %broadcast_in_dim3A_84 : vector<1x64xf32> to vector<128x64xf32>
    %mul3A_86 = arith.mulf %select_n3A_83, %broadcast_in_dim3A_85 : vector<128x64xf32>
    %reduce_sum3A_87 = arith.constant dense<0.000000e+00> : vector<128xf32>
    %reduce_sum3A_88 = vector.multi_reduction <add>, %mul3A_86, %reduce_sum3A_87 [1] : vector<128x64xf32> to vector<128xf32>
    %broadcast_in_dim3A_89 = vector.shape_cast %reduce_sum3A_88 : vector<128xf32> to vector<128x1xf32>
    %broadcast_in_dim3A_90 = vector.shape_cast %broadcast_in_dim3A_7 : vector<1x64xf32> to vector<1x64xf32>
    %broadcast_in_dim3A_91 = vector.broadcast %broadcast_in_dim3A_90 : vector<1x64xf32> to vector<128x64xf32>
    %mul3A_92 = arith.mulf %select_n3A_83, %broadcast_in_dim3A_91 : vector<128x64xf32>
    %reduce_sum3A_93 = arith.constant dense<0.000000e+00> : vector<128xf32>
    %reduce_sum3A_94 = vector.multi_reduction <add>, %mul3A_92, %reduce_sum3A_93 [1] : vector<128x64xf32> to vector<128xf32>
    %broadcast_in_dim3A_95 = vector.shape_cast %reduce_sum3A_94 : vector<128xf32> to vector<128x1xf32>
    %div3A = arith.constant 1.280000e+02 : f32
    %div3A_96 = vector.broadcast %div3A : f32 to vector<128x1xf32>
    %div3A_97 = arith.divf %broadcast_in_dim3A_89, %div3A_96 : vector<128x1xf32>
    %floor3A = math.floor %div3A_97 : vector<128x1xf32>
    %mul3A_98 = arith.constant 1.280000e+02 : f32
    %mul3A_99 = vector.broadcast %mul3A_98 : f32 to vector<128x1xf32>
    %mul3A_100 = arith.mulf %floor3A, %mul3A_99 : vector<128x1xf32>
    %sub3A_101 = arith.subf %broadcast_in_dim3A_89, %mul3A_100 : vector<128x1xf32>
    %gt3A = arith.constant 0.000000e+00 : f32
    %gt3A_102 = vector.broadcast %gt3A : f32 to vector<128x1xf32>
    %gt3A_103 = arith.cmpf ogt, %broadcast_in_dim3A_95, %gt3A_102 : vector<128x1xf32>
    %ne3A = arith.constant 0.000000e+00 : f32
    %ne3A_104 = vector.broadcast %ne3A : f32 to vector<128x1xf32>
    %ne3A_105 = arith.cmpf one, %sub3A_101, %ne3A_104 : vector<128x1xf32>
    %and3A = arith.andi %gt3A_103, %ne3A_105 : vector<128x1xi1>
    %lt3A = arith.constant 1.600000e+01 : f32
    %lt3A_106 = vector.broadcast %lt3A : f32 to vector<128x1xf32>
    %lt3A_107 = arith.cmpf olt, %convert_element_type3A_71, %lt3A_106 : vector<128x1xf32>
    %mul3A_108 = arith.constant 1.280000e+02 : f32
    %mul3A_109 = vector.broadcast %mul3A_108 : f32 to vector<128x1xf32>
    %mul3A_110 = arith.mulf %convert_element_type3A_71, %mul3A_109 : vector<128x1xf32>
    %add3A_111 = arith.constant 2.048000e+03 : f32
    %add3A_112 = vector.broadcast %add3A_111 : f32 to vector<128x1xf32>
    %add3A_113 = arith.addf %add3A_112, %convert_element_type3A_71 : vector<128x1xf32>
    %select_n3A_114 = arith.select %and3A, %broadcast_in_dim3A_89, %add3A_113 : vector<128x1xi1>, vector<128x1xf32>
    %select_n3A_115 = arith.select %lt3A_107, %mul3A_110, %select_n3A_114 : vector<128x1xi1>, vector<128x1xf32>
    %iota3A_116 = tpu.iota {dimensions = array<i32: 0>} : vector<128x128xi32>
    %convert_element_type3A_117 = arith.sitofp %iota3A_116 : vector<128x128xi32> to vector<128x128xf32>
    %iota3A_118 = tpu.iota {dimensions = array<i32: 1>} : vector<128x128xi32>
    %convert_element_type3A_119 = arith.sitofp %iota3A_118 : vector<128x128xi32> to vector<128x128xf32>
    %eq3A_120 = arith.cmpf oeq, %convert_element_type3A_117, %convert_element_type3A_119 : vector<128x128xf32>
    %jit3A_121 = arith.constant 1.000000e+00 : f32
    %jit3A_122 = arith.constant 0.000000e+00 : f32
    %broadcast_in_dim3A_123 = vector.broadcast %jit3A_121 : f32 to vector<128x128xf32>
    %broadcast_in_dim3A_124 = vector.broadcast %jit3A_122 : f32 to vector<128x128xf32>
    %select_n3A_125 = arith.select %eq3A_120, %broadcast_in_dim3A_123, %broadcast_in_dim3A_124 : vector<128x128xi1>, vector<128x128xf32>
    %broadcast_in_dim3A_126 = vector.shape_cast %select_n3A_115 : vector<128x1xf32> to vector<128x1xf32>
    %broadcast_in_dim3A_127 = vector.broadcast %broadcast_in_dim3A_126 : vector<128x1xf32> to vector<128x128xf32>
    %mul3A_128 = arith.mulf %select_n3A_125, %broadcast_in_dim3A_127 : vector<128x128xf32>
    %reduce_sum3A_129 = arith.constant dense<0.000000e+00> : vector<128xf32>
    %reduce_sum3A_130 = vector.multi_reduction <add>, %mul3A_128, %reduce_sum3A_129 [0] : vector<128x128xf32> to vector<128xf32>
    %broadcast_in_dim3A_131 = vector.shape_cast %reduce_sum3A_130 : vector<128xf32> to vector<1x128xf32>
    %lt3A_132 = vector.broadcast %broadcast_in_dim3A_131 : vector<1x128xf32> to vector<128x128xf32>
    %lt3A_133 = vector.broadcast %select_n3A_115 : vector<128x1xf32> to vector<128x128xf32>
    %lt3A_134 = arith.cmpf olt, %lt3A_132, %lt3A_133 : vector<128x128xf32>
    %jit3A_135 = arith.constant 1.000000e+00 : f32
    %jit3A_136 = arith.constant 0.000000e+00 : f32
    %broadcast_in_dim3A_137 = vector.broadcast %jit3A_135 : f32 to vector<128x128xf32>
    %broadcast_in_dim3A_138 = vector.broadcast %jit3A_136 : f32 to vector<128x128xf32>
    %select_n3A_139 = arith.select %lt3A_134, %broadcast_in_dim3A_137, %broadcast_in_dim3A_138 : vector<128x128xi1>, vector<128x128xf32>
    %reduce_sum3A_140 = arith.constant dense<0.000000e+00> : vector<128xf32>
    %reduce_sum3A_141 = vector.multi_reduction <add>, %select_n3A_139, %reduce_sum3A_140 [1] : vector<128x128xf32> to vector<128xf32>
    %broadcast_in_dim3A_142 = vector.shape_cast %reduce_sum3A_141 : vector<128xf32> to vector<128x1xf32>
    %broadcast_in_dim3A_143 = vector.shape_cast %broadcast_in_dim3A_142 : vector<128x1xf32> to vector<128x1xf32>
    %broadcast_in_dim3A_144 = vector.broadcast %broadcast_in_dim3A_143 : vector<128x1xf32> to vector<128x128xf32>
    %mul3A_145 = arith.mulf %select_n3A_125, %broadcast_in_dim3A_144 : vector<128x128xf32>
    %reduce_sum3A_146 = arith.constant dense<0.000000e+00> : vector<128xf32>
    %reduce_sum3A_147 = vector.multi_reduction <add>, %mul3A_145, %reduce_sum3A_146 [0] : vector<128x128xf32> to vector<128xf32>
    %broadcast_in_dim3A_148 = vector.shape_cast %reduce_sum3A_147 : vector<128xf32> to vector<1x128xf32>
    %iota3A_149 = tpu.iota {dimensions = array<i32: 0>} : vector<128x128xi32>
    %convert_element_type3A_150 = arith.sitofp %iota3A_149 : vector<128x128xi32> to vector<128x128xf32>
    %eq3A_151 = vector.broadcast %broadcast_in_dim3A_148 : vector<1x128xf32> to vector<128x128xf32>
    %eq3A_152 = arith.cmpf oeq, %eq3A_151, %convert_element_type3A_150 : vector<128x128xf32>
    %jit3A_153 = arith.constant 1.000000e+00 : f32
    %jit3A_154 = arith.constant 0.000000e+00 : f32
    %broadcast_in_dim3A_155 = vector.broadcast %jit3A_153 : f32 to vector<128x128xf32>
    %broadcast_in_dim3A_156 = vector.broadcast %jit3A_154 : f32 to vector<128x128xf32>
    %select_n3A_157 = arith.select %eq3A_152, %broadcast_in_dim3A_155, %broadcast_in_dim3A_156 : vector<128x128xi1>, vector<128x128xf32>
    %broadcast_in_dim3A_158 = vector.shape_cast %broadcast_in_dim3A_131 : vector<1x128xf32> to vector<1x128xf32>
    %broadcast_in_dim3A_159 = vector.broadcast %broadcast_in_dim3A_158 : vector<1x128xf32> to vector<128x128xf32>
    %mul3A_160 = arith.mulf %select_n3A_157, %broadcast_in_dim3A_159 : vector<128x128xf32>
    %reduce_sum3A_161 = arith.constant dense<0.000000e+00> : vector<128xf32>
    %reduce_sum3A_162 = vector.multi_reduction <add>, %mul3A_160, %reduce_sum3A_161 [1] : vector<128x128xf32> to vector<128xf32>
    %broadcast_in_dim3A_163 = vector.shape_cast %reduce_sum3A_162 : vector<128xf32> to vector<128x1xf32>
    %lt3A_164 = arith.constant 2.048000e+03 : f32
    %lt3A_165 = vector.broadcast %lt3A_164 : f32 to vector<128x1xf32>
    %lt3A_166 = arith.cmpf olt, %broadcast_in_dim3A_163, %lt3A_165 : vector<128x1xf32>
    %div3A_167 = arith.constant 1.280000e+02 : f32
    %div3A_168 = vector.broadcast %div3A_167 : f32 to vector<128x1xf32>
    %div3A_169 = arith.divf %broadcast_in_dim3A_163, %div3A_168 : vector<128x1xf32>
    %floor3A_170 = math.floor %div3A_169 : vector<128x1xf32>
    %jit3A_171 = arith.constant 1.500000e+01 : f32
    %broadcast_in_dim3A_172 = vector.broadcast %jit3A_171 : f32 to vector<128x1xf32>
    %select_n3A_173 = arith.select %lt3A_166, %floor3A_170, %broadcast_in_dim3A_172 : vector<128x1xi1>, vector<128x1xf32>
    %div3A_174 = arith.constant 1.280000e+02 : f32
    %div3A_175 = vector.broadcast %div3A_174 : f32 to vector<128x1xf32>
    %div3A_176 = arith.divf %broadcast_in_dim3A_163, %div3A_175 : vector<128x1xf32>
    %floor3A_177 = math.floor %div3A_176 : vector<128x1xf32>
    %mul3A_178 = arith.constant 1.280000e+02 : f32
    %mul3A_179 = vector.broadcast %mul3A_178 : f32 to vector<128x1xf32>
    %mul3A_180 = arith.mulf %floor3A_177, %mul3A_179 : vector<128x1xf32>
    %sub3A_181 = arith.subf %broadcast_in_dim3A_163, %mul3A_180 : vector<128x1xf32>
    %jit3A_182 = arith.constant 1.280000e+02 : f32
    %broadcast_in_dim3A_183 = vector.broadcast %jit3A_182 : f32 to vector<128x1xf32>
    %select_n3A_184 = arith.select %lt3A_166, %sub3A_181, %broadcast_in_dim3A_183 : vector<128x1xi1>, vector<128x1xf32>
    %iota3A_185 = tpu.iota {dimensions = array<i32: 1>} : vector<128x128xi32>
    %convert_element_type3A_186 = arith.sitofp %iota3A_185 : vector<128x128xi32> to vector<128x128xf32>
    %iota3A_187 = tpu.iota {dimensions = array<i32: 0>} : vector<128x128xi32>
    %convert_element_type3A_188 = arith.sitofp %iota3A_187 : vector<128x128xi32> to vector<128x128xf32>
    %add3A_189 = arith.constant 1.000000e+00 : f32
    %add3A_190 = vector.broadcast %add3A_189 : f32 to vector<128x128xf32>
    %add3A_191 = arith.addf %convert_element_type3A_188, %add3A_190 : vector<128x128xf32>
    %eq3A_192 = arith.cmpf oeq, %convert_element_type3A_186, %add3A_191 : vector<128x128xf32>
    %jit3A_193 = arith.constant 1.000000e+00 : f32
    %jit3A_194 = arith.constant 0.000000e+00 : f32
    %broadcast_in_dim3A_195 = vector.broadcast %jit3A_193 : f32 to vector<128x128xf32>
    %broadcast_in_dim3A_196 = vector.broadcast %jit3A_194 : f32 to vector<128x128xf32>
    %select_n3A_197 = arith.select %eq3A_192, %broadcast_in_dim3A_195, %broadcast_in_dim3A_196 : vector<128x128xi1>, vector<128x128xf32>
    %broadcast_in_dim3A_198 = vector.shape_cast %broadcast_in_dim3A_163 : vector<128x1xf32> to vector<128x1xf32>
    %broadcast_in_dim3A_199 = vector.broadcast %broadcast_in_dim3A_198 : vector<128x1xf32> to vector<128x128xf32>
    %mul3A_200 = arith.mulf %select_n3A_125, %broadcast_in_dim3A_199 : vector<128x128xf32>
    %reduce_sum3A_201 = arith.constant dense<0.000000e+00> : vector<128xf32>
    %reduce_sum3A_202 = vector.multi_reduction <add>, %mul3A_200, %reduce_sum3A_201 [0] : vector<128x128xf32> to vector<128xf32>
    %broadcast_in_dim3A_203 = vector.shape_cast %reduce_sum3A_202 : vector<128xf32> to vector<1x128xf32>
    %broadcast_in_dim3A_204 = vector.shape_cast %broadcast_in_dim3A_203 : vector<1x128xf32> to vector<1x128xf32>
    %broadcast_in_dim3A_205 = vector.broadcast %broadcast_in_dim3A_204 : vector<1x128xf32> to vector<128x128xf32>
    %mul3A_206 = arith.mulf %select_n3A_197, %broadcast_in_dim3A_205 : vector<128x128xf32>
    %reduce_sum3A_207 = arith.constant dense<0.000000e+00> : vector<128xf32>
    %reduce_sum3A_208 = vector.multi_reduction <add>, %mul3A_206, %reduce_sum3A_207 [1] : vector<128x128xf32> to vector<128xf32>
    %broadcast_in_dim3A_209 = vector.shape_cast %reduce_sum3A_208 : vector<128xf32> to vector<128x1xf32>
    %div3A_210 = arith.constant 1.280000e+02 : f32
    %div3A_211 = vector.broadcast %div3A_210 : f32 to vector<128x1xf32>
    %div3A_212 = arith.divf %broadcast_in_dim3A_209, %div3A_211 : vector<128x1xf32>
    %floor3A_213 = math.floor %div3A_212 : vector<128x1xf32>
    %lt3A_214 = arith.constant 2.048000e+03 : f32
    %lt3A_215 = vector.broadcast %lt3A_214 : f32 to vector<128x1xf32>
    %lt3A_216 = arith.cmpf olt, %broadcast_in_dim3A_209, %lt3A_215 : vector<128x1xf32>
    %eq3A_217 = arith.cmpf oeq, %floor3A_213, %select_n3A_173 : vector<128x1xf32>
    %and3A_218 = arith.andi %lt3A_216, %eq3A_217 : vector<128x1xi1>
    %mul3A_219 = arith.constant 1.280000e+02 : f32
    %mul3A_220 = vector.broadcast %mul3A_219 : f32 to vector<128x1xf32>
    %mul3A_221 = arith.mulf %floor3A_213, %mul3A_220 : vector<128x1xf32>
    %sub3A_222 = arith.subf %broadcast_in_dim3A_209, %mul3A_221 : vector<128x1xf32>
    %jit3A_223 = arith.constant 1.280000e+02 : f32
    %broadcast_in_dim3A_224 = vector.broadcast %jit3A_223 : f32 to vector<128x1xf32>
    %select_n3A_225 = arith.select %and3A_218, %sub3A_222, %broadcast_in_dim3A_224 : vector<128x1xi1>, vector<128x1xf32>
    %min3A = arith.constant 2.047000e+03 : f32
    %min3A_226 = vector.broadcast %min3A : f32 to vector<128x1xf32>
    %min3A_227 = arith.minimumf %broadcast_in_dim3A_163, %min3A_226 : vector<128x1xf32>
    %broadcast_in_dim3A_228 = vector.shape_cast %broadcast_in_dim3A_47 : vector<1x64xf32> to vector<1x64xf32>
    %broadcast_in_dim3A_229 = vector.broadcast %broadcast_in_dim3A_228 : vector<1x64xf32> to vector<128x64xf32>
    %le3A_230 = vector.broadcast %min3A_227 : vector<128x1xf32> to vector<128x64xf32>
    %le3A_231 = arith.cmpf ole, %broadcast_in_dim3A_229, %le3A_230 : vector<128x64xf32>
    %jit3A_232 = arith.constant 1.000000e+00 : f32
    %jit3A_233 = arith.constant 0.000000e+00 : f32
    %broadcast_in_dim3A_234 = vector.broadcast %jit3A_232 : f32 to vector<128x64xf32>
    %broadcast_in_dim3A_235 = vector.broadcast %jit3A_233 : f32 to vector<128x64xf32>
    %select_n3A_236 = arith.select %le3A_231, %broadcast_in_dim3A_234, %broadcast_in_dim3A_235 : vector<128x64xi1>, vector<128x64xf32>
    %reduce_sum3A_237 = arith.constant dense<0.000000e+00> : vector<128xf32>
    %reduce_sum3A_238 = vector.multi_reduction <add>, %select_n3A_236, %reduce_sum3A_237 [1] : vector<128x64xf32> to vector<128xf32>
    %broadcast_in_dim3A_239 = vector.shape_cast %reduce_sum3A_238 : vector<128xf32> to vector<128x1xf32>
    %iota3A_240 = tpu.iota {dimensions = array<i32: 1>} : vector<128x128xi32>
    %convert_element_type3A_241 = arith.sitofp %iota3A_240 : vector<128x128xi32> to vector<128x128xf32>
    %iota3A_242 = tpu.iota {dimensions = array<i32: 0>} : vector<128x128xi32>
    %convert_element_type3A_243 = arith.sitofp %iota3A_242 : vector<128x128xi32> to vector<128x128xf32>
    %sub3A_244 = arith.constant 1.000000e+00 : f32
    %sub3A_245 = vector.broadcast %sub3A_244 : f32 to vector<128x128xf32>
    %sub3A_246 = arith.subf %convert_element_type3A_243, %sub3A_245 : vector<128x128xf32>
    %eq3A_247 = arith.cmpf oeq, %convert_element_type3A_241, %sub3A_246 : vector<128x128xf32>
    %jit3A_248 = arith.constant 1.000000e+00 : f32
    %jit3A_249 = arith.constant 0.000000e+00 : f32
    %broadcast_in_dim3A_250 = vector.broadcast %jit3A_248 : f32 to vector<128x128xf32>
    %broadcast_in_dim3A_251 = vector.broadcast %jit3A_249 : f32 to vector<128x128xf32>
    %select_n3A_252 = arith.select %eq3A_247, %broadcast_in_dim3A_250, %broadcast_in_dim3A_251 : vector<128x128xi1>, vector<128x128xf32>
    %broadcast_in_dim3A_253 = vector.shape_cast %select_n3A_173 : vector<128x1xf32> to vector<128x1xf32>
    %broadcast_in_dim3A_254 = vector.broadcast %broadcast_in_dim3A_253 : vector<128x1xf32> to vector<128x128xf32>
    %mul3A_255 = arith.mulf %select_n3A_125, %broadcast_in_dim3A_254 : vector<128x128xf32>
    %reduce_sum3A_256 = arith.constant dense<0.000000e+00> : vector<128xf32>
    %reduce_sum3A_257 = vector.multi_reduction <add>, %mul3A_255, %reduce_sum3A_256 [0] : vector<128x128xf32> to vector<128xf32>
    %broadcast_in_dim3A_258 = vector.shape_cast %reduce_sum3A_257 : vector<128xf32> to vector<1x128xf32>
    %broadcast_in_dim3A_259 = vector.shape_cast %broadcast_in_dim3A_258 : vector<1x128xf32> to vector<1x128xf32>
    %broadcast_in_dim3A_260 = vector.broadcast %broadcast_in_dim3A_259 : vector<1x128xf32> to vector<128x128xf32>
    %mul3A_261 = arith.mulf %select_n3A_252, %broadcast_in_dim3A_260 : vector<128x128xf32>
    %reduce_sum3A_262 = arith.constant dense<0.000000e+00> : vector<128xf32>
    %reduce_sum3A_263 = vector.multi_reduction <add>, %mul3A_261, %reduce_sum3A_262 [1] : vector<128x128xf32> to vector<128xf32>
    %broadcast_in_dim3A_264 = vector.shape_cast %reduce_sum3A_263 : vector<128xf32> to vector<128x1xf32>
    %eq3A_265 = arith.constant 0.000000e+00 : f32
    %eq3A_266 = vector.broadcast %eq3A_265 : f32 to vector<128x1xf32>
    %eq3A_267 = arith.cmpf oeq, %convert_element_type3A_71, %eq3A_266 : vector<128x1xf32>
    %ne3A_268 = arith.cmpf one, %select_n3A_173, %broadcast_in_dim3A_264 : vector<128x1xf32>
    %or3A = arith.ori %eq3A_267, %ne3A_268 : vector<128x1xi1>
    %jit3A_269 = arith.constant 1.000000e+00 : f32
    %jit3A_270 = arith.constant 0.000000e+00 : f32
    %broadcast_in_dim3A_271 = vector.broadcast %jit3A_269 : f32 to vector<128x1xf32>
    %broadcast_in_dim3A_272 = vector.broadcast %jit3A_270 : f32 to vector<128x1xf32>
    %select_n3A_273 = arith.select %or3A, %broadcast_in_dim3A_271, %broadcast_in_dim3A_272 : vector<128x1xi1>, vector<128x1xf32>
    %convert_element_type3A_274 = arith.fptosi %select_n3A_173 : vector<128x1xf32> to vector<128x1xi32>
    %swap3A_275 = arith.constant 0 : index
    %swap3A_276 = arith.constant 0 : index
    %swap3A_277 = vector.load %arg2[%swap3A_275, %swap3A_276] : memref<128x1xi32, #tpu.memory_space<vmem>>, vector<128x1xi32>
    tpu.vector_store %arg2[%swap3A_275, %swap3A_276], %convert_element_type3A_274 {strides = array<i32>} : memref<128x1xi32, #tpu.memory_space<vmem>>, vector<128x1xi32>,
    %convert_element_type3A_278 = arith.fptosi %broadcast_in_dim3A_239 : vector<128x1xf32> to vector<128x1xi32>
    %swap3A_279 = arith.constant 0 : index
    %swap3A_280 = arith.constant 0 : index
    %swap3A_281 = vector.load %arg3[%swap3A_279, %swap3A_280] : memref<128x1xi32, #tpu.memory_space<vmem>>, vector<128x1xi32>
    tpu.vector_store %arg3[%swap3A_279, %swap3A_280], %convert_element_type3A_278 {strides = array<i32>} : memref<128x1xi32, #tpu.memory_space<vmem>>, vector<128x1xi32>,
    %convert_element_type3A_282 = arith.fptosi %select_n3A_184 : vector<128x1xf32> to vector<128x1xi32>
    %swap3A_283 = arith.constant 0 : index
    %swap3A_284 = arith.constant 0 : index
    %swap3A_285 = vector.load %arg4[%swap3A_283, %swap3A_284] : memref<128x1xi32, #tpu.memory_space<vmem>>, vector<128x1xi32>
    tpu.vector_store %arg4[%swap3A_283, %swap3A_284], %convert_element_type3A_282 {strides = array<i32>} : memref<128x1xi32, #tpu.memory_space<vmem>>, vector<128x1xi32>,
    %convert_element_type3A_286 = arith.fptosi %select_n3A_225 : vector<128x1xf32> to vector<128x1xi32>
    %swap3A_287 = arith.constant 0 : index
    %swap3A_288 = arith.constant 0 : index
    %swap3A_289 = vector.load %arg5[%swap3A_287, %swap3A_288] : memref<128x1xi32, #tpu.memory_space<vmem>>, vector<128x1xi32>
    tpu.vector_store %arg5[%swap3A_287, %swap3A_288], %convert_element_type3A_286 {strides = array<i32>} : memref<128x1xi32, #tpu.memory_space<vmem>>, vector<128x1xi32>,
    %convert_element_type3A_290 = arith.fptosi %select_n3A_273 : vector<128x1xf32> to vector<128x1xi32>
    %swap3A_291 = arith.constant 0 : index
    %swap3A_292 = arith.constant 0 : index
    %swap3A_293 = vector.load %arg6[%swap3A_291, %swap3A_292] : memref<128x1xi32, #tpu.memory_space<vmem>>, vector<128x1xi32>
    tpu.vector_store %arg6[%swap3A_291, %swap3A_292], %convert_element_type3A_290 {strides = array<i32>} : memref<128x1xi32, #tpu.memory_space<vmem>>, vector<128x1xi32>,
    return
  }
}

</mosaic_0001>

<sc_bundles>
// kernel: kernel.6.cloned.1.call-start
scs
__scs_entry_jumppad:
0x0: {  	(pc) =	sbr.rel $0x88, $3  }
0x1: {  	(tag) =	ssettag $0x0;
	lr =	simm.s32 $0x1  }
0x2: {  	[smem:$0x3F9D] =	sst lr;
	_ =	strace $0xD0000000  }
0x3: {  	_ = 	snop  }
0x4: {  	_ = 	snop  }
0x5: {  	_ = 	snop  }
0x6: {  	_ = 	snop  }
0x7: {  	_ = 	snop  }
__scs_overlays_trampoline_lowered:
0x8: {  	[smem:$0x3FAC] =	sst s0  }
0x9: {  	[smem:$0x3FAD] =	sst s1  }
0xa: {  	[smem:$0x3FAE] =	sst s2  }
0xb: {  	[smem:$0x3FAF] =	sst s3  }
0xc: {  	[smem:$0x3FB0] =	sst s4  }
0xd: {  	[smem:$0x3FB1] =	sst s5  }
0xe: {  	[smem:$0x3FB2] =	sst s6  }
0xf: {  	[smem:$0x3FB3] =	sst s7  }
0x10: {  	[smem:$0x3FB4] =	sst s8  }
0x11: {  	[smem:$0x3FB5] =	sst s9;
	s0 =	simm.s32 @!p0 $0x0  }
0x12: {  	s1 =	sld [smem:$0x3F9B];
	s0 =	simm.s32 @p0 $0x1  }
0x13: {  	[smem:$0x3FB6] =	sst s0;
	s0 =	simm.s32 @!p1 $0x0  }
0x14: {  	s2 =	sld [smem:$0x3F9A];
	s0 =	simm.s32 @p1 $0x1  }
0x15: {  	[smem:$0x3FB7] =	sst s0;
	s0 =	simm.s32 @!p2 $0x0  }
0x16: {  	s3 =	sld [smem:$0x3FDB];
	s0 =	simm.s32 @p2 $0x1  }
0x17: {  	s4 =	simm.s32 $0x1BF5;
	[smem:$0x3FB9] =	sst s0  }
0x18: {  	s0 =	sld [smem:$0x3F9C];
	_ =	swait.ge [sflag:s4], $0x0  }
0x19: {  	s7 =	sld [smem:$0x3F9D]  }
0x1a: {  	s8 =	sadd.s32 $0xFFFFE003, lr  }
0x1b: {  	s9 =	sadd.s32 $0xFFFFFEF7, lr;
	s5 =	simm.s32 $0xFFFFFFFF;
	p2 =	slt.u32 s8, $0xFFFFF086  }
0x1c: {  	p1 =	slt.u32 s9, $0xF7A;
	s5 =	simm.s32 @!p2 $0x0  }
0x1d: {  	s5 =	simm.s32 @p1 $0x1;
	p0 =	seq.s32 s7, s2  }
0x1e: {  	s7 =	smul.u32 @!p0 $0xF7A, s2;
	p2 =	seq.s32 @!p0 s5, $0x0  }
0x1f: {  	s9 =	smul.u32 $0xF7A, s1;
	s8 =	simm.s32 @!p0 $0x1BF5;
	p2 =	por !p2, p0  }
0x20: {  	[sflag:s8] =	ssyncset.s32 @!p0 $0xFFFFF086;
	s6 =	sadd.s32 @!p0 s3, s7;
	s7 =	simm.s32 @!p0 $0x108  }
0x21: {  	s3 =	sadd.s32 s3, s9;
	s6 =	sadd.s32 @!p0 $0x88, s6;
	s7 =	simm.s32 @p2 $0x1082  }
0x22: {  	[simem:s7], [sflag:s8] =	dma.local @!p0 [hbm:s6], $0xF7A  }
0x23: {  	s9 =	sor.u32 $0xD0000000, s2;
	s6 =	simm.s32 $0x108;
	_ =	swait.ge @!p0 [sflag:s8], $0x0  }
0x24: {  	s3 =	sadd.s32 $0x88, s3;
	s6 =	simm.s32 @!p1 $0x1082;
	[sflag:s4] =	ssyncset.s32 $0xFFFFF086  }
0x25: {  	[simem:s6], [sflag:s4] =	dma.local [hbm:s3], $0xF7A  }
0x26: {  	[smem:$0x3F9D] =	sst s1;
	(tag) =	ssettag s2;
	_ =	strace s9  }
0x27: {  	s1 =	sld [smem:$0x3FAD]  }
0x28: {  	s2 =	sld [smem:$0x3FAE]  }
0x29: {  	s4 =	sld [smem:$0x3FB0]  }
0x2a: {  	p0 =	seq.s32 s5, $0x0;
	s5 =	sld [smem:$0x3FB1]  }
0x2b: {  	s6 =	sld [smem:$0x3FB2]  }
0x2c: {  	s7 =	sld [smem:$0x3FB3]  }
0x2d: {  	s3 =	simm.s32 $0x108;
	s8 =	sld [smem:$0x3FB4]  }
0x2e: {  	s3 =	simm.s32 @!p0 $0x1082;
	s9 =	sld [smem:$0x3FB5]  }
0x2f: {  	lr =	sadd.s32 s0, s3;
	s0 =	sld [smem:$0x3FAC]  }
0x30: {  	s3 =	sld [smem:$0x3FAF]  }
0x31: {  	[smem:$0x3FB8] =	sst s10  }
0x32: {  	s10 =	sld [smem:$0x3FB6];
	_ =	sdelay $0x3  }
0x33: {  	p0 =	seq.s32 s10, $0x1;
	s10 =	sld [smem:$0x3FB8];
	_ =	sdelay $0x3  }
0x34: {  	[smem:$0x3FB8] =	sst s10  }
0x35: {  	s10 =	sld [smem:$0x3FB7];
	_ =	sdelay $0x3  }
0x36: {  	p1 =	seq.s32 s10, $0x1;
	s10 =	sld [smem:$0x3FB8];
	_ =	sdelay $0x3  }
0x37: {  	[smem:$0x3FB8] =	sst s10  }
0x38: {  	s10 =	sld [smem:$0x3FB9]  }
0x39: {  	_ = 	snop;
	(pc) =	sbr.ind lr, $3  }
0x3a: {  	_ = 	snop  }
0x3b: {  	_ = 	snop  }
0x3c: {  	p2 =	seq.s32 s10, $0x1;
	s10 =	sld [smem:$0x3FB8]  }
0x3d: {  	_ =	shalt  }
0x3e: {  	_ =	shalt  }
0x3f: {  	_ =	shalt  }
0x40: {  	_ =	shalt  }
0x41: {  	_ =	shalt  }
0x42: {  	_ =	shalt  }
0x43: {  	_ =	shalt  }
0x44: {  	_ =	shalt  }
0x45: {  	_ =	shalt  }
0x46: {  	_ =	shalt  }
0x47: {  	_ =	shalt  }
0x48: {  	_ =	shalt  }
0x49: {  	_ =	shalt  }
0x4a: {  	_ =	shalt  }
0x4b: {  	_ =	shalt  }
0x4c: {  	_ =	shalt  }
0x4d: {  	_ =	shalt  }
0x4e: {  	_ =	shalt  }
0x4f: {  	_ =	shalt  }
0x50: {  	_ =	shalt  }
0x51: {  	_ =	shalt  }
0x52: {  	_ =	shalt  }
0x53: {  	_ =	shalt  }
0x54: {  	_ =	shalt  }
0x55: {  	_ =	shalt  }
0x56: {  	_ =	shalt  }
0x57: {  	_ =	shalt  }
0x58: {  	_ =	shalt  }
0x59: {  	_ =	shalt  }
0x5a: {  	_ =	shalt  }
0x5b: {  	_ =	shalt  }
0x5c: {  	_ =	shalt  }
0x5d: {  	_ =	shalt  }
0x5e: {  	_ =	shalt  }
0x5f: {  	_ =	shalt  }
0x60: {  	_ =	shalt  }
0x61: {  	_ =	shalt  }
0x62: {  	_ =	shalt  }
0x63: {  	_ =	shalt  }
0x64: {  	_ =	shalt  }
0x65: {  	_ =	shalt  }
0x66: {  	_ =	shalt  }
0x67: {  	_ =	shalt  }
0x68: {  	_ =	shalt  }
0x69: {  	_ =	shalt  }
0x6a: {  	_ =	shalt  }
0x6b: {  	_ =	shalt  }
0x6c: {  	_ =	shalt  }
0x6d: {  	_ =	shalt  }
0x6e: {  	_ =	shalt  }
0x6f: {  	_ =	shalt  }
0x70: {  	_ =	shalt  }
0x71: {  	_ =	shalt  }
0x72: {  	_ =	shalt  }
0x73: {  	_ =	shalt  }
0x74: {  	_ =	shalt  }
0x75: {  	_ =	shalt  }
0x76: {  	_ =	shalt  }
0x77: {  	_ =	shalt  }
0x78: {  	_ =	shalt  }
0x79: {  	_ =	shalt  }
0x7a: {  	_ =	shalt  }
0x7b: {  	_ =	shalt  }
0x7c: {  	_ =	shalt  }
0x7d: {  	_ =	shalt  }
0x7e: {  	_ =	shalt  }
0x7f: {  	_ =	shalt  }
0x80: {  	_ =	shalt  }
0x81: {  	_ =	shalt  }
0x82: {  	_ =	shalt  }
0x83: {  	_ =	shalt  }
0x84: {  	_ =	shalt  }
0x85: {  	_ =	shalt  }
0x86: {  	_ =	shalt  }
0x87: {  	_ =	shalt  }
.Lfunc_end0:
.L_simem_size_0:
called_computation_lowered:
.L_overlay_start_0:
0x88: {  	s2 =	sld [smem:$0x3FD9]  }
0x89: {  	s3 =	sld [smem:$0x3FFE];
	_ =	sdelay $0x1  }
0x8a: {  	s1 =	srdreg.scid  }
0x8b: {  	s0 =	sand.u32 $0x1, s1  }
0x8c: {  	s17 =	sshll.u32 s0, $0xA;
	s2 =	sadd.s32 s3, s2  }
0x8d: {  	s2 =	sadd.s32 s2, s17  }
0x8e: {  	[smem:$0x3FC4] =	sst s2  }
0x8f: {  	_ = 	snop  }
0x90: {  	s2 =	sld [smem:$0x3FC9]  }
0x91: {  	s18 =	sld [smem:$0x3FD0];
	(tm) =	ssettm $0x1  }
0x92: {  	s4 =	sld [smem:$0x3FFB];
	_ =	sdelay $0x3  }
0x93: {  	_ =	strace s4  }
0x94: {  	s4 =	sld [smem:$0x3FFC];
	_ =	sdelay $0x3  }
0x95: {  	_ =	strace s4  }
0x96: {  	s4 =	sld [smem:$0x3FFD];
	_ =	sdelay $0x3  }
0x97: {  	_ =	strace s4  }
0x98: {  	_ =	strace $0x8FFFFFFF  }
0x99: {  	s19 =	sld [smem:$0x3FDB];
	_ =	sdelay $0x1  }
0x9a: {  	s5 =	simm.s32 $_scs_section_size  }
0x9b: {  	s6 =	simm.s32 $_size__tile_overlayer_lowered;
	s7 =	simm.s32 $_tile_overlayer_lowered  }
0x9c: {  	s22 =	simm.s32 $0x1BFF;
	s21 =	sshll.u32 s7, $0x1;
	s4 =	sadd.s32 s5, s19  }
0x9d: {  	s8 =	simm.s32 $0x0;
	s20 =	sshll.u32 s6, $0x1;
	s6 =	sadd.s32 s21, s4  }
0x9e: {  	[timem:s8], [sflag:s22] =	dma.local [hbm:s6], s20  }
0x9f: {  	_ =	swait.ge [sflag:s22], s20  }
0xa0: {  	s5 =	ssub.s32 $0x0, s20;
	[sflag:s22] =	ssyncset.done $0x0  }
0xa1: {  	[sflag:s22] =	ssyncadd.s32 s5;
	_ =	sdelay $0x1  }
0xa2: {  	s23 =	simm.s32 $0x1B8B  }
0xa3: {  	_ =	swait.ge [sflag:s23], $0x1  }
0xa4: {  	[sflag:s23] =	ssyncset.done $0x0  }
0xa5: {  	s25 =	simm.s32 $0x1B8E;
	s24 =	sld [smem:$0x3FFE];
	[sflag:s23] =	ssyncadd.s32 $0xFFFFFFFF  }
0xa6: {  	s26 =	simm.s32 $execute0_lowered;
	[smem:$0x3FD2] =	sst s25  }
0xa7: {  	s6 =	sshll.u32 s26, $0x1;
	_ =	strace $0x80000046;
	[dreg:$0x1] =	wrdreg $0xFFFFFFFF  }
0xa8: {  	s28 =	simm.s32 $_size_execute0_lowered;
	s4 =	sadd.s32 s4, s6;
	[dreg:$0x0] =	wrdreg $0x0  }
0xa9: {  	s6 =	sshll.u32 s28, $0x1;
	[dreg:$0x2] =	wrdreg s4  }
0xaa: {  	[dreg:$0x3] =	wrdreg s6  }
0xab: {  	[dreg:$0x4] =	wrdreg $0xC0  }
0xac: {  	_ =	task [dreg:s8], $0x5FFFF  }
0xad: {  	[dreg:$0x1] =	wrdreg $0xFFFFFFFF  }
0xae: {  	[dreg:$0x0] =	wrdreg $0x60  }
0xaf: {  	[dreg:$0x2] =	wrdreg s24  }
0xb0: {  	[dreg:$0x3] =	wrdreg s2  }
0xb1: {  	[dreg:$0x4] =	wrdreg s18  }
0xb2: {  	[dreg:$0x5] =	wrdreg $0x9  }
0xb3: {  	_ =	task.clear_ibuf [dreg:s8], $0x6FFFF;
	_ =	strace $0x90000046  }
0xb4: {  	s29 =	simm.s32 $0x9;
	_ =	strace $0x80000048  }
0xb5: {  	_ =	swait.ge [sflag:s29], $0x1  }
0xb6: {  	[sflag:s29] =	ssyncadd.s32 $0xFFFFFFFF  }
0xb7: {  	_ =	strace $0x90000048  }
0xb8: {  	_ =	sfence  }
0xb9: {  	s30 =	sld [smem:$0x0];
	_ =	sdelay $0x2  }
0xba: {  	s31 =	sshll.u32 s1, $0xD;
	s1 =	sshrl.u32 s1, $0x2  }
0xbb: {  	s3 =	sand.u32 $0x4000, s31;
	s1 =	sadd.s32 s1, s30  }
0xbc: {  	s0 =	sor.u32 s3, s0;
	s1 =	sshll.u32 s1, $0x11  }
0xbd: {  	s0 =	sor.u32 s1, s0  }
0xbe: {  	s0 =	sadd.s32 $0x8F2B, s0  }
0xbf: {  	[sflag:s0] =	ssyncadd.remote.s32 $0x1  }
0xc0: {  	_ =	sfence.sel $0xFFFF  }
0xc1: {  	[dreg:$0x0] =	wrdreg $0xFFFFFFFF;
	(pc) =	sbr.abs _section_cstart, $3  }
0xc2: {  	[dreg:$0x1] =	wrdreg $0xFFFFFFFF  }
0xc3: {  	_ =	task.clear_ibuf [dreg:s8], $0x2FFFF;
	_ =	strace $0x9FFFFFFF  }
0xc4: {  	(tm) =	ssettm $0x7FFFFFFF  }
0xc5: {  	_ =	shalt  }
tec
execute0_lowered:
.L_overlay_start_1:
0x0: {  	(tag) =	ssettag $0x1  }
0x1: {  	s4 =	rddreg [dreg:$0x0]  }
0x2: {  	s5 =	rddreg [dreg:$0x1]  }
0x3: {  	s2 =	rddreg [dreg:$0x2];
	s3 =	srdreg.scid  }
0x4: {  	s0 =	rddreg [dreg:$0x3];
	s1 =	stileid.u32;
	s10 =	simm.s32 $0x1080  }
0x5: {  	s11 =	simm.s32 $0x1880;
	s12 =	simm.s32 $0x2080;
	s13 =	simm.s32 $0x2880  }
0x6: {  	s14 =	simm.s32 $0x3080;
	s15 =	simm.s32 $0x3880;
	s16 =	simm.s32 $0x1  }
0x7: {  	s6 =	sand.u32 $0x1, s3;
	s3 =	simm.s32 $0x0;
	s7 =	sshll.u32 s1, $0x7  }
0x8: {  	s8 =	sshll.u32 s6, $0x6;
	[smem:$0x7FF] =	sst s3;
	s6 =	ssub.s32 $0x2, s6  }
0x9: {  	s7 =	sor.u32 s8, s7;
	_ =	strace $0x80000047;
	s31 =	sshrl.u32 s6, $0x1  }
0xa: {  	v2 =	vlaneseq.u32;
	s8 =	simm.s32 $0x80;
	s9 =	sshrl.u32 s7, $0x3;
	s7 =	sshll.u32 s7, $0x5  }
0xb: {  	vm0 =	vmmov $0xffff;
	v1 =	vshrl.u32 v2, $0x3;
	s6 =	ssub.s32 s6, s31;
	s4 =	sadd.s32 s4, s9;
	s5 =	sadd.s32 s5, s7  }
0xc: {  	v0 =	vand.u32 $0x7, v2;
	v2 =	vor.u32 $0x8, v2;
	v1 =	vmul.u32 $0x8, v1;
	s6 =	smax.u32 s6, $0x1;
	s7 =	simm.s32 $0x2;
	s9 =	simm.s32 $0x880  }
.LBB2_1:
0xd: {  	[tilespmem:s3], [sflag:$0x2] =	stream.linear.gather [hbm4b:s4+s3], $0x40, $0x38;
	[tilespmem:$0x4080] =	vst v63  }
0xe: {  	_ =	swait.ge [sflag:s7], $0x40  }
0xf: {  	[sflag:s7] =	ssyncset.done $0x0  }
0x10: {  	[sflag:s7] =	ssyncadd.s32 $0xFFFFFFC0  }
0x11: {  	[tilespmem:s8], [sflag:$0x2] =	stream.linear.gather [hbm4b:s5+s3], $0x4000, $0x38;
	[tilespmem:$0x4080] =	vst v63  }
0x12: {  	_ =	swait.ge [sflag:s7], $0x4000  }
0x13: {  	[sflag:s7] =	ssyncset.done $0x0  }
0x14: {  	[sflag:s7] =	ssyncadd.s32 $0xFFFFC000  }
0x15: {  	v3 =	vld [tilespmem:$0x0];
	_ =	sdelay $0x4  }
0x16: {  	v4 =	vshll.u32 v3, $0x1  }
0x17: {  	v3 =	vand.u32 $0x7, v3;
	v4 =	vand.u32 $0xFFFFFFF0, v4  }
0x18: {  	v3 =	vor.u32 v3, v4  }
0x19: {  	v4 =	vperm.xlane v3, v0;
	_ =	sdelay $0x1  }
0x1a: {  	v3 =	vperm.xlane v3, v2;
	v4 =	vadd.s32 v1, v4;
	_ =	sdelay $0x1  }
0x1b: {  	v3 =	vadd.s32 v1, v3;
	_ =	sdelay $0x2  }
0x1c: {  	[hbm4b:s2+s3] =	stream.indirect_vreg.scatter [tilespmem:s8], [sflag:$0x1], $0x80, v4, vm0, $0xb8;
	[tilespmem:$0x4080] =	vst v63  }
0x1d: {  	_ = 	snop  }
0x1e: {  	[hbm4b:s2+s3] =	stream.indirect_vreg.scatter [tilespmem:s9], [sflag:$0x1], $0x80, v3, vm0, $0xb8;
	[tilespmem:$0x4080] =	vst v63  }
0x1f: {  	v3 =	vld [tilespmem:$0x10];
	_ =	sdelay $0x4  }
0x20: {  	v61 =	vshll.u32 v3, $0x1  }
0x21: {  	v3 =	vand.u32 $0x7, v3;
	v4 =	vand.u32 $0xFFFFFFF0, v61  }
0x22: {  	v3 =	vor.u32 v3, v4  }
0x23: {  	v4 =	vperm.xlane v3, v0;
	_ =	sdelay $0x1  }
0x24: {  	v3 =	vperm.xlane v3, v2;
	v4 =	vadd.s32 v1, v4;
	_ =	sdelay $0x1  }
0x25: {  	v3 =	vadd.s32 v1, v3;
	_ =	sdelay $0x2  }
0x26: {  	[hbm4b:s2+s3] =	stream.indirect_vreg.scatter [tilespmem:s10], [sflag:$0x1], $0x80, v4, vm0, $0xb8;
	[tilespmem:$0x4080] =	vst v63  }
0x27: {  	_ = 	snop  }
0x28: {  	[hbm4b:s2+s3] =	stream.indirect_vreg.scatter [tilespmem:s11], [sflag:$0x1], $0x80, v3, vm0, $0xb8;
	[tilespmem:$0x4080] =	vst v63  }
0x29: {  	v3 =	vld [tilespmem:$0x20];
	_ =	sdelay $0x4  }
0x2a: {  	v62 =	vshll.u32 v3, $0x1  }
0x2b: {  	v3 =	vand.u32 $0x7, v3;
	v4 =	vand.u32 $0xFFFFFFF0, v62  }
0x2c: {  	v3 =	vor.u32 v3, v4  }
0x2d: {  	v4 =	vperm.xlane v3, v0;
	_ =	sdelay $0x1  }
0x2e: {  	v3 =	vperm.xlane v3, v2;
	v4 =	vadd.s32 v1, v4;
	_ =	sdelay $0x1  }
0x2f: {  	v3 =	vadd.s32 v1, v3;
	_ =	sdelay $0x2  }
0x30: {  	[hbm4b:s2+s3] =	stream.indirect_vreg.scatter [tilespmem:s12], [sflag:$0x1], $0x80, v4, vm0, $0xb8;
	[tilespmem:$0x4080] =	vst v63  }
0x31: {  	_ = 	snop  }
0x32: {  	[hbm4b:s2+s3] =	stream.indirect_vreg.scatter [tilespmem:s13], [sflag:$0x1], $0x80, v3, vm0, $0xb8;
	[tilespmem:$0x4080] =	vst v63  }
0x33: {  	v3 =	vld [tilespmem:$0x30];
	_ =	sdelay $0x4  }
0x34: {  	v63 =	vshll.u32 v3, $0x1  }
0x35: {  	v3 =	vand.u32 $0x7, v3;
	v4 =	vand.u32 $0xFFFFFFF0, v63  }
0x36: {  	v3 =	vor.u32 v3, v4  }
0x37: {  	v4 =	vperm.xlane v3, v0;
	_ =	sdelay $0x1  }
0x38: {  	v3 =	vperm.xlane v3, v2;
	v4 =	vadd.s32 v1, v4;
	_ =	sdelay $0x1  }
0x39: {  	v3 =	vadd.s32 v1, v3;
	_ =	sdelay $0x1  }
0x3a: {  	p0 =	sne.s32 s6, $0x1  }
0x3b: {  	[hbm4b:s2+s3] =	stream.indirect_vreg.scatter [tilespmem:s14], [sflag:$0x1], $0x80, v4, vm0, $0xb8;
	[tilespmem:$0x4080] =	vst v63  }
.Ltmp0:
0x3c: {  	_ = 	snop;
	(pc) =	sbr.rel @p0 .LBB2_1-.Ltmp0, $4  }
0x3d: {  	[hbm4b:s2+s3] =	stream.indirect_vreg.scatter [tilespmem:s15], [sflag:$0x1], $0x80, v3, vm0, $0xb8;
	[tilespmem:$0x4080] =	vst v63  }
0x3e: {  	_ =	swait.ge [sflag:s16], $0x4000  }
0x3f: {  	[sflag:s16] =	ssyncset.done $0x0  }
0x40: {  	s6 =	sadd.s32 $0xFFFFFFFF, s6;
	[sflag:s16] =	ssyncadd.s32 $0xFFFFC000  }
0x41: {  	_ =	sfence.sel $0x180000  }
0x42: {  	[bflag:$0x0] =	sbarrier.arrive $0xFFFF  }
0x43: {  	p0 =	sne.s32 s1, $0x0;
	_ =	strace $0x90000047  }
0x44: {  	s0 =	sadd.s32 @!p0 $0x100000, s0;
	[bflag:$0x2] =	sbarrier.arrive $0xFFFF  }
0x45: {  	[sflag:s0] =	ssyncadd.tile.s32 @!p0 $0x1;
	_ =	shalt  }
.Lfunc_end2:
_tile_overlayer_lowered:
.L_overlay_start_2:
0x46: {  	(tag) =	ssettag $0x2  }
0x47: {  	s0 =	rddreg [dreg:$0x0];
	s2 =	stileid.u32  }
0x48: {  	s1 =	rddreg [dreg:$0x1];
	p0 =	sne.s32 s2, $0x0  }
0x49: {  	s3 =	rddreg [dreg:$0x2];
	[bflag:$0x3] =	sbarrier.arrive $0xFFFF;
	s2 =	simm.s32 @!p0 $0x1C02  }
0x4a: {  	[timem:s3], [sflag:s2] =	dma.local @!p0 [hbm:s0], s1  }
0x4b: {  	s0 =	simm.s32 @!p0 $0x2  }
0x4c: {  	_ =	swait.ge @!p0 [sflag:s0], s1  }
0x4d: {  	s1 =	ssub.s32 @!p0 $0x0, s1;
	[sflag:s0] =	ssyncset.done @!p0 $0x0  }
0x4e: {  	[sflag:s0] =	ssyncadd.s32 @!p0 s1  }
0x4f: {  	[bflag:$0x3] =	sbarrier.arrive $0xFFFF  }
0x50: {  	_ =	shalt  }

// kernel: kernel.9.cloned.1.call-start
scs
__scs_entry_jumppad:
0x0: {  	(pc) =	sbr.rel $0x88, $3  }
0x1: {  	(tag) =	ssettag $0x0;
	lr =	simm.s32 $0x1  }
0x2: {  	[smem:$0x3F9D] =	sst lr;
	_ =	strace $0xD0000000  }
0x3: {  	_ = 	snop  }
0x4: {  	_ = 	snop  }
0x5: {  	_ = 	snop  }
0x6: {  	_ = 	snop  }
0x7: {  	_ = 	snop  }
__scs_overlays_trampoline_lowered:
0x8: {  	[smem:$0x3FAC] =	sst s0  }
0x9: {  	[smem:$0x3FAD] =	sst s1  }
0xa: {  	[smem:$0x3FAE] =	sst s2  }
0xb: {  	[smem:$0x3FAF] =	sst s3  }
0xc: {  	[smem:$0x3FB0] =	sst s4  }
0xd: {  	[smem:$0x3FB1] =	sst s5  }
0xe: {  	[smem:$0x3FB2] =	sst s6  }
0xf: {  	[smem:$0x3FB3] =	sst s7  }
0x10: {  	[smem:$0x3FB4] =	sst s8  }
0x11: {  	[smem:$0x3FB5] =	sst s9;
	s0 =	simm.s32 @!p0 $0x0  }
0x12: {  	s1 =	sld [smem:$0x3F9B];
	s0 =	simm.s32 @p0 $0x1  }
0x13: {  	[smem:$0x3FB6] =	sst s0;
	s0 =	simm.s32 @!p1 $0x0  }
0x14: {  	s2 =	sld [smem:$0x3F9A];
	s0 =	simm.s32 @p1 $0x1  }
0x15: {  	[smem:$0x3FB7] =	sst s0;
	s0 =	simm.s32 @!p2 $0x0  }
0x16: {  	s3 =	sld [smem:$0x3FDB];
	s0 =	simm.s32 @p2 $0x1  }
0x17: {  	s4 =	simm.s32 $0x1BF5;
	[smem:$0x3FB9] =	sst s0  }
0x18: {  	s0 =	sld [smem:$0x3F9C];
	_ =	swait.ge [sflag:s4], $0x0  }
0x19: {  	s7 =	sld [smem:$0x3F9D]  }
0x1a: {  	s8 =	sadd.s32 $0xFFFFE003, lr  }
0x1b: {  	s9 =	sadd.s32 $0xFFFFFEF7, lr;
	s5 =	simm.s32 $0xFFFFFFFF;
	p2 =	slt.u32 s8, $0xFFFFF086  }
0x1c: {  	p1 =	slt.u32 s9, $0xF7A;
	s5 =	simm.s32 @!p2 $0x0  }
0x1d: {  	s5 =	simm.s32 @p1 $0x1;
	p0 =	seq.s32 s7, s2  }
0x1e: {  	s7 =	smul.u32 @!p0 $0xF7A, s2;
	p2 =	seq.s32 @!p0 s5, $0x0  }
0x1f: {  	s9 =	smul.u32 $0xF7A, s1;
	s8 =	simm.s32 @!p0 $0x1BF5;
	p2 =	por !p2, p0  }
0x20: {  	[sflag:s8] =	ssyncset.s32 @!p0 $0xFFFFF086;
	s6 =	sadd.s32 @!p0 s3, s7;
	s7 =	simm.s32 @!p0 $0x108  }
0x21: {  	s3 =	sadd.s32 s3, s9;
	s6 =	sadd.s32 @!p0 $0x88, s6;
	s7 =	simm.s32 @p2 $0x1082  }
0x22: {  	[simem:s7], [sflag:s8] =	dma.local @!p0 [hbm:s6], $0xF7A  }
0x23: {  	s9 =	sor.u32 $0xD0000000, s2;
	s6 =	simm.s32 $0x108;
	_ =	swait.ge @!p0 [sflag:s8], $0x0  }
0x24: {  	s3 =	sadd.s32 $0x88, s3;
	s6 =	simm.s32 @!p1 $0x1082;
	[sflag:s4] =	ssyncset.s32 $0xFFFFF086  }
0x25: {  	[simem:s6], [sflag:s4] =	dma.local [hbm:s3], $0xF7A  }
0x26: {  	[smem:$0x3F9D] =	sst s1;
	(tag) =	ssettag s2;
	_ =	strace s9  }
0x27: {  	s1 =	sld [smem:$0x3FAD]  }
0x28: {  	s2 =	sld [smem:$0x3FAE]  }
0x29: {  	s4 =	sld [smem:$0x3FB0]  }
0x2a: {  	p0 =	seq.s32 s5, $0x0;
	s5 =	sld [smem:$0x3FB1]  }
0x2b: {  	s6 =	sld [smem:$0x3FB2]  }
0x2c: {  	s7 =	sld [smem:$0x3FB3]  }
0x2d: {  	s3 =	simm.s32 $0x108;
	s8 =	sld [smem:$0x3FB4]  }
0x2e: {  	s3 =	simm.s32 @!p0 $0x1082;
	s9 =	sld [smem:$0x3FB5]  }
0x2f: {  	lr =	sadd.s32 s0, s3;
	s0 =	sld [smem:$0x3FAC]  }
0x30: {  	s3 =	sld [smem:$0x3FAF]  }
0x31: {  	[smem:$0x3FB8] =	sst s10  }
0x32: {  	s10 =	sld [smem:$0x3FB6];
	_ =	sdelay $0x3  }
0x33: {  	p0 =	seq.s32 s10, $0x1;
	s10 =	sld [smem:$0x3FB8];
	_ =	sdelay $0x3  }
0x34: {  	[smem:$0x3FB8] =	sst s10  }
0x35: {  	s10 =	sld [smem:$0x3FB7];
	_ =	sdelay $0x3  }
0x36: {  	p1 =	seq.s32 s10, $0x1;
	s10 =	sld [smem:$0x3FB8];
	_ =	sdelay $0x3  }
0x37: {  	[smem:$0x3FB8] =	sst s10  }
0x38: {  	s10 =	sld [smem:$0x3FB9]  }
0x39: {  	_ = 	snop;
	(pc) =	sbr.ind lr, $3  }
0x3a: {  	_ = 	snop  }
0x3b: {  	_ = 	snop  }
0x3c: {  	p2 =	seq.s32 s10, $0x1;
	s10 =	sld [smem:$0x3FB8]  }
0x3d: {  	_ =	shalt  }
0x3e: {  	_ =	shalt  }
0x3f: {  	_ =	shalt  }
0x40: {  	_ =	shalt  }
0x41: {  	_ =	shalt  }
0x42: {  	_ =	shalt  }
0x43: {  	_ =	shalt  }
0x44: {  	_ =	shalt  }
0x45: {  	_ =	shalt  }
0x46: {  	_ =	shalt  }
0x47: {  	_ =	shalt  }
0x48: {  	_ =	shalt  }
0x49: {  	_ =	shalt  }
0x4a: {  	_ =	shalt  }
0x4b: {  	_ =	shalt  }
0x4c: {  	_ =	shalt  }
0x4d: {  	_ =	shalt  }
0x4e: {  	_ =	shalt  }
0x4f: {  	_ =	shalt  }
0x50: {  	_ =	shalt  }
0x51: {  	_ =	shalt  }
0x52: {  	_ =	shalt  }
0x53: {  	_ =	shalt  }
0x54: {  	_ =	shalt  }
0x55: {  	_ =	shalt  }
0x56: {  	_ =	shalt  }
0x57: {  	_ =	shalt  }
0x58: {  	_ =	shalt  }
0x59: {  	_ =	shalt  }
0x5a: {  	_ =	shalt  }
0x5b: {  	_ =	shalt  }
0x5c: {  	_ =	shalt  }
0x5d: {  	_ =	shalt  }
0x5e: {  	_ =	shalt  }
0x5f: {  	_ =	shalt  }
0x60: {  	_ =	shalt  }
0x61: {  	_ =	shalt  }
0x62: {  	_ =	shalt  }
0x63: {  	_ =	shalt  }
0x64: {  	_ =	shalt  }
0x65: {  	_ =	shalt  }
0x66: {  	_ =	shalt  }
0x67: {  	_ =	shalt  }
0x68: {  	_ =	shalt  }
0x69: {  	_ =	shalt  }
0x6a: {  	_ =	shalt  }
0x6b: {  	_ =	shalt  }
0x6c: {  	_ =	shalt  }
0x6d: {  	_ =	shalt  }
0x6e: {  	_ =	shalt  }
0x6f: {  	_ =	shalt  }
0x70: {  	_ =	shalt  }
0x71: {  	_ =	shalt  }
0x72: {  	_ =	shalt  }
0x73: {  	_ =	shalt  }
0x74: {  	_ =	shalt  }
0x75: {  	_ =	shalt  }
0x76: {  	_ =	shalt  }
0x77: {  	_ =	shalt  }
0x78: {  	_ =	shalt  }
0x79: {  	_ =	shalt  }
0x7a: {  	_ =	shalt  }
0x7b: {  	_ =	shalt  }
0x7c: {  	_ =	shalt  }
0x7d: {  	_ =	shalt  }
0x7e: {  	_ =	shalt  }
0x7f: {  	_ =	shalt  }
0x80: {  	_ =	shalt  }
0x81: {  	_ =	shalt  }
0x82: {  	_ =	shalt  }
0x83: {  	_ =	shalt  }
0x84: {  	_ =	shalt  }
0x85: {  	_ =	shalt  }
0x86: {  	_ =	shalt  }
0x87: {  	_ =	shalt  }
.Lfunc_end0:
.L_simem_size_0:
called_computation.1_lowered:
.L_overlay_start_0:
0x88: {  	s2 =	sld [smem:$0x3FD9]  }
0x89: {  	s3 =	sld [smem:$0x3FFE];
	_ =	sdelay $0x1  }
0x8a: {  	s1 =	srdreg.scid  }
0x8b: {  	s0 =	sand.u32 $0x1, s1  }
0x8c: {  	s17 =	sshll.u32 s0, $0xA;
	s2 =	sadd.s32 s3, s2  }
0x8d: {  	s2 =	sadd.s32 s2, s17  }
0x8e: {  	[smem:$0x3FC4] =	sst s2  }
0x8f: {  	_ = 	snop  }
0x90: {  	s2 =	sld [smem:$0x3FD0];
	(tm) =	ssettm $0x1  }
0x91: {  	s18 =	sld [smem:$0x3FFB];
	_ =	sdelay $0x3  }
0x92: {  	_ =	strace s18  }
0x93: {  	s3 =	sld [smem:$0x3FFC];
	_ =	sdelay $0x3  }
0x94: {  	_ =	strace s3  }
0x95: {  	s3 =	sld [smem:$0x3FFD];
	_ =	sdelay $0x3  }
0x96: {  	_ =	strace s3  }
0x97: {  	_ =	strace $0x8FFFFFFF  }
0x98: {  	s19 =	sld [smem:$0x3FDB];
	_ =	sdelay $0x1  }
0x99: {  	s4 =	simm.s32 $_scs_section_size  }
0x9a: {  	s5 =	simm.s32 $_size__tile_overlayer_lowered;
	s6 =	simm.s32 $_tile_overlayer_lowered  }
0x9b: {  	s22 =	simm.s32 $0x1BFF;
	s21 =	sshll.u32 s6, $0x1;
	s3 =	sadd.s32 s4, s19  }
0x9c: {  	s7 =	simm.s32 $0x0;
	s20 =	sshll.u32 s5, $0x1;
	s5 =	sadd.s32 s21, s3  }
0x9d: {  	[timem:s7], [sflag:s22] =	dma.local [hbm:s5], s20  }
0x9e: {  	_ =	swait.ge [sflag:s22], s20  }
0x9f: {  	s4 =	ssub.s32 $0x0, s20;
	[sflag:s22] =	ssyncset.done $0x0  }
0xa0: {  	[sflag:s22] =	ssyncadd.s32 s4;
	_ =	sdelay $0x1  }
0xa1: {  	s23 =	simm.s32 $0x1B8B  }
0xa2: {  	_ =	swait.ge [sflag:s23], $0x1  }
0xa3: {  	[sflag:s23] =	ssyncset.done $0x0  }
0xa4: {  	s25 =	simm.s32 $0x1B8E;
	s24 =	sld [smem:$0x3FFE];
	[sflag:s23] =	ssyncadd.s32 $0xFFFFFFFF  }
0xa5: {  	s26 =	simm.s32 $execute0_lowered;
	[smem:$0x3FD2] =	sst s25  }
0xa6: {  	s5 =	sshll.u32 s26, $0x1;
	_ =	strace $0x80000049;
	[dreg:$0x1] =	wrdreg $0xFFFFFFFF  }
0xa7: {  	s28 =	simm.s32 $_size_execute0_lowered;
	s3 =	sadd.s32 s3, s5;
	[dreg:$0x0] =	wrdreg $0x0  }
0xa8: {  	s5 =	sshll.u32 s28, $0x1;
	[dreg:$0x2] =	wrdreg s3  }
0xa9: {  	[dreg:$0x3] =	wrdreg s5  }
0xaa: {  	[dreg:$0x4] =	wrdreg $0xC0  }
0xab: {  	_ =	task [dreg:s7], $0x5FFFF  }
0xac: {  	[dreg:$0x1] =	wrdreg $0xFFFFFFFF  }
0xad: {  	[dreg:$0x0] =	wrdreg $0x60  }
0xae: {  	[dreg:$0x2] =	wrdreg s24  }
0xaf: {  	[dreg:$0x3] =	wrdreg s2  }
0xb0: {  	[dreg:$0x4] =	wrdreg $0x9  }
0xb1: {  	_ =	task.clear_ibuf [dreg:s7], $0x5FFFF;
	_ =	strace $0x90000049  }
0xb2: {  	s29 =	simm.s32 $0x9;
	_ =	strace $0x8000004B  }
0xb3: {  	_ =	swait.ge [sflag:s29], $0x1  }
0xb4: {  	[sflag:s29] =	ssyncadd.s32 $0xFFFFFFFF  }
0xb5: {  	_ =	strace $0x9000004B  }
0xb6: {  	_ =	sfence  }
0xb7: {  	s30 =	sld [smem:$0x0];
	_ =	sdelay $0x2  }
0xb8: {  	s31 =	sshll.u32 s1, $0xD;
	s1 =	sshrl.u32 s1, $0x2  }
0xb9: {  	s3 =	sand.u32 $0x4000, s31;
	s1 =	sadd.s32 s1, s30  }
0xba: {  	s0 =	sor.u32 s3, s0;
	s1 =	sshll.u32 s1, $0x11  }
0xbb: {  	s0 =	sor.u32 s1, s0  }
0xbc: {  	s0 =	sadd.s32 $0x8F2B, s0  }
0xbd: {  	[sflag:s0] =	ssyncadd.remote.s32 $0x1  }
0xbe: {  	_ =	sfence.sel $0xFFFF  }
0xbf: {  	[dreg:$0x0] =	wrdreg $0xFFFFFFFF;
	(pc) =	sbr.abs _section_cstart, $3  }
0xc0: {  	[dreg:$0x1] =	wrdreg $0xFFFFFFFF  }
0xc1: {  	_ =	task.clear_ibuf [dreg:s7], $0x2FFFF;
	_ =	strace $0x9FFFFFFF  }
0xc2: {  	(tm) =	ssettm $0x7FFFFFFF  }
0xc3: {  	_ =	shalt  }
tec
execute0_lowered:
.L_overlay_start_1:
0x0: {  	(tag) =	ssettag $0x1  }
0x1: {  	s4 =	rddreg [dreg:$0x0]  }
0x2: {  	s5 =	rddreg [dreg:$0x1]  }
0x3: {  	s0 =	rddreg [dreg:$0x2];
	s3 =	srdreg.scid  }
0x4: {  	s2 =	simm.s32 $0x0;
	s1 =	stileid.u32;
	s10 =	simm.s32 $0x1080  }
0x5: {  	s11 =	simm.s32 $0x1880;
	s12 =	simm.s32 $0x2080;
	s13 =	simm.s32 $0x2880  }
0x6: {  	s14 =	simm.s32 $0x3080;
	s15 =	simm.s32 $0x3880;
	s16 =	simm.s32 $0x1  }
0x7: {  	s3 =	sand.u32 $0x1, s3;
	[smem:$0x7FF] =	sst s2;
	s6 =	sshll.u32 s1, $0x7  }
0x8: {  	s7 =	sshll.u32 s3, $0x6;
	_ =	strace $0x8000004A;
	s8 =	ssub.s32 $0x2, s3  }
0x9: {  	s3 =	sadd.s32 $0x200, s4;
	s6 =	sor.u32 s7, s6;
	s31 =	sshrl.u32 s8, $0x1  }
0xa: {  	v2 =	vlaneseq.u32;
	s9 =	sshrl.u32 s6, $0x3;
	s7 =	ssub.s32 s8, s31;
	s6 =	sshll.u32 s6, $0x5  }
0xb: {  	vm0 =	vmmov $0xffff;
	v1 =	vshrl.u32 v2, $0x3;
	s8 =	simm.s32 $0x80;
	s4 =	sadd.s32 s4, s9;
	s5 =	sadd.s32 s5, s6  }
0xc: {  	v0 =	vand.u32 $0x7, v2;
	v2 =	vor.u32 $0x8, v2;
	v1 =	vmul.u32 $0x8, v1;
	s6 =	smax.u32 s7, $0x1;
	s7 =	simm.s32 $0x2;
	s9 =	simm.s32 $0x880  }
.LBB2_1:
0xd: {  	[tilespmem:s2], [sflag:$0x2] =	stream.linear.gather [hbm4b:s4+s2], $0x40, $0x38;
	[tilespmem:$0x4080] =	vst v63  }
0xe: {  	_ =	swait.ge [sflag:s7], $0x40  }
0xf: {  	[sflag:s7] =	ssyncset.done $0x0  }
0x10: {  	[sflag:s7] =	ssyncadd.s32 $0xFFFFFFC0  }
0x11: {  	v3 =	vld [tilespmem:$0x0];
	_ =	sdelay $0x4  }
0x12: {  	v4 =	vshll.u32 v3, $0x1  }
0x13: {  	v3 =	vand.u32 $0x7, v3;
	v4 =	vand.u32 $0xFFFFFFF0, v4  }
0x14: {  	v3 =	vor.u32 v3, v4  }
0x15: {  	v4 =	vperm.xlane v3, v0;
	_ =	sdelay $0x1  }
0x16: {  	v3 =	vperm.xlane v3, v2;
	v4 =	vadd.s32 v1, v4;
	_ =	sdelay $0x1  }
0x17: {  	v3 =	vadd.s32 v1, v3;
	_ =	sdelay $0x2  }
0x18: {  	[tilespmem:s8], [sflag:$0x1] =	stream.indirect_vreg.gather [hbm4b:s3+s2], $0x80, v4, vm0, $0xb8;
	[tilespmem:$0x4080] =	vst v63  }
0x19: {  	_ = 	snop  }
0x1a: {  	[tilespmem:s9], [sflag:$0x1] =	stream.indirect_vreg.gather [hbm4b:s3+s2], $0x80, v3, vm0, $0xb8;
	[tilespmem:$0x4080] =	vst v63  }
0x1b: {  	v3 =	vld [tilespmem:$0x10];
	_ =	sdelay $0x4  }
0x1c: {  	v61 =	vshll.u32 v3, $0x1  }
0x1d: {  	v3 =	vand.u32 $0x7, v3;
	v4 =	vand.u32 $0xFFFFFFF0, v61  }
0x1e: {  	v3 =	vor.u32 v3, v4  }
0x1f: {  	v4 =	vperm.xlane v3, v0;
	_ =	sdelay $0x1  }
0x20: {  	v3 =	vperm.xlane v3, v2;
	v4 =	vadd.s32 v1, v4;
	_ =	sdelay $0x1  }
0x21: {  	v3 =	vadd.s32 v1, v3;
	_ =	sdelay $0x2  }
0x22: {  	[tilespmem:s10], [sflag:$0x1] =	stream.indirect_vreg.gather [hbm4b:s3+s2], $0x80, v4, vm0, $0xb8;
	[tilespmem:$0x4080] =	vst v63  }
0x23: {  	_ = 	snop  }
0x24: {  	[tilespmem:s11], [sflag:$0x1] =	stream.indirect_vreg.gather [hbm4b:s3+s2], $0x80, v3, vm0, $0xb8;
	[tilespmem:$0x4080] =	vst v63  }
0x25: {  	v3 =	vld [tilespmem:$0x20];
	_ =	sdelay $0x4  }
0x26: {  	v62 =	vshll.u32 v3, $0x1  }
0x27: {  	v3 =	vand.u32 $0x7, v3;
	v4 =	vand.u32 $0xFFFFFFF0, v62  }
0x28: {  	v3 =	vor.u32 v3, v4  }
0x29: {  	v4 =	vperm.xlane v3, v0;
	_ =	sdelay $0x1  }
0x2a: {  	v3 =	vperm.xlane v3, v2;
	v4 =	vadd.s32 v1, v4;
	_ =	sdelay $0x1  }
0x2b: {  	v3 =	vadd.s32 v1, v3;
	_ =	sdelay $0x2  }
0x2c: {  	[tilespmem:s12], [sflag:$0x1] =	stream.indirect_vreg.gather [hbm4b:s3+s2], $0x80, v4, vm0, $0xb8;
	[tilespmem:$0x4080] =	vst v63  }
0x2d: {  	_ = 	snop  }
0x2e: {  	[tilespmem:s13], [sflag:$0x1] =	stream.indirect_vreg.gather [hbm4b:s3+s2], $0x80, v3, vm0, $0xb8;
	[tilespmem:$0x4080] =	vst v63  }
0x2f: {  	v3 =	vld [tilespmem:$0x30];
	_ =	sdelay $0x4  }
0x30: {  	v63 =	vshll.u32 v3, $0x1  }
0x31: {  	v3 =	vand.u32 $0x7, v3;
	v4 =	vand.u32 $0xFFFFFFF0, v63  }
0x32: {  	v3 =	vor.u32 v3, v4  }
0x33: {  	v4 =	vperm.xlane v3, v0;
	_ =	sdelay $0x1  }
0x34: {  	v3 =	vperm.xlane v3, v2;
	v4 =	vadd.s32 v1, v4;
	_ =	sdelay $0x1  }
0x35: {  	v3 =	vadd.s32 v1, v3;
	_ =	sdelay $0x2  }
0x36: {  	[tilespmem:s14], [sflag:$0x1] =	stream.indirect_vreg.gather [hbm4b:s3+s2], $0x80, v4, vm0, $0xb8;
	[tilespmem:$0x4080] =	vst v63  }
0x37: {  	_ = 	snop  }
0x38: {  	[tilespmem:s15], [sflag:$0x1] =	stream.indirect_vreg.gather [hbm4b:s3+s2], $0x80, v3, vm0, $0xb8;
	[tilespmem:$0x4080] =	vst v63  }
0x39: {  	_ =	swait.ge [sflag:s16], $0x4000  }
0x3a: {  	p0 =	sne.s32 s6, $0x1;
	[sflag:s16] =	ssyncset.done $0x0  }
.Ltmp0:
0x3b: {  	[sflag:s16] =	ssyncadd.s32 $0xFFFFC000;
	(pc) =	sbr.rel @p0 .LBB2_1-.Ltmp0, $4  }
0x3c: {  	[hbm4b:s5+s2] =	stream.linear.scatter [tilespmem:s8], [sflag:$0x2], $0x4000, $0x38;
	[tilespmem:$0x4080] =	vst v63  }
0x3d: {  	_ =	swait.ge [sflag:s7], $0x4000  }
0x3e: {  	[sflag:s7] =	ssyncset.done $0x0  }
0x3f: {  	s6 =	sadd.s32 $0xFFFFFFFF, s6;
	[sflag:s7] =	ssyncadd.s32 $0xFFFFC000  }
0x40: {  	_ =	sfence.sel $0x180000  }
0x41: {  	[bflag:$0x0] =	sbarrier.arrive $0xFFFF  }
0x42: {  	p0 =	sne.s32 s1, $0x0;
	_ =	strace $0x9000004A  }
0x43: {  	s0 =	sadd.s32 @!p0 $0x100000, s0;
	[bflag:$0x2] =	sbarrier.arrive $0xFFFF  }
0x44: {  	[sflag:s0] =	ssyncadd.tile.s32 @!p0 $0x1;
	_ =	shalt  }
.Lfunc_end2:
_tile_overlayer_lowered:
.L_overlay_start_2:
0x45: {  	(tag) =	ssettag $0x2  }
0x46: {  	s0 =	rddreg [dreg:$0x0];
	s2 =	stileid.u32  }
0x47: {  	s1 =	rddreg [dreg:$0x1];
	p0 =	sne.s32 s2, $0x0  }
0x48: {  	s3 =	rddreg [dreg:$0x2];
	[bflag:$0x3] =	sbarrier.arrive $0xFFFF;
	s2 =	simm.s32 @!p0 $0x1C02  }
0x49: {  	[timem:s3], [sflag:s2] =	dma.local @!p0 [hbm:s0], s1  }
0x4a: {  	s0 =	simm.s32 @!p0 $0x2  }
0x4b: {  	_ =	swait.ge @!p0 [sflag:s0], s1  }
0x4c: {  	s1 =	ssub.s32 @!p0 $0x0, s1;
	[sflag:s0] =	ssyncset.done @!p0 $0x0  }
0x4d: {  	[sflag:s0] =	ssyncadd.s32 @!p0 s1  }
0x4e: {  	[bflag:$0x3] =	sbarrier.arrive $0xFFFF  }
0x4f: {  	_ =	shalt  }

</sc_bundles>
